<compile_context>
chip_gen: v7x
topology: tpu7x:2x2x1
jax: 0.10.2.dev20260603
libtpu: 0.0.44.dev20260713+nightly
codegen_flags: <defaults>
</compile_context>

<pallas_src>
import functools

import jax
import jax.numpy as jnp
from jax import lax
from jax.experimental import pallas as pl
from jax.experimental.pallas import tpu as pltpu
from jax.experimental.pallas import tpu_sc as plsc

NUM_CORES = 2
NUM_SUBCORES = 16
CHUNK_ROWS = 64
SP_ROWS = 1024
SP_CHUNK = 256


@functools.lru_cache(maxsize=None)
def _make_sc_broadcast(batch: int, seq_len: int, d_model: int):
    rows_per_core = seq_len // NUM_CORES
    stream_rows = rows_per_core - SP_ROWS
    rows_per_worker = stream_rows // NUM_SUBCORES
    n_chunks = rows_per_worker // CHUNK_ROWS
    n_sp_chunks = SP_ROWS // SP_CHUNK
    assert rows_per_worker % CHUNK_ROWS == 0 and SP_ROWS % SP_CHUNK == 0

    mesh = plsc.VectorSubcoreMesh(
        core_axis_name="c", subcore_axis_name="s",
        num_cores=NUM_CORES, num_subcores=NUM_SUBCORES,
    )

    @functools.partial(
        pl.kernel,
        out_type=jax.ShapeDtypeStruct((batch, seq_len, d_model), jnp.float32),
        mesh=mesh,
        scratch_types=[
            pltpu.VMEM((2, CHUNK_ROWS, d_model), jnp.float32),
            pltpu.VMEM_SHARED((2, SP_CHUNK, d_model), jnp.float32),
            pltpu.SemaphoreType.DMA,
            pltpu.SemaphoreType.DMA,
            pltpu.SemaphoreType.DMA,
            pltpu.SemaphoreType.DMA,
        ],
    )
    def table_broadcast(table_hbm, out_hbm, buf, spbuf,
                        in_sem, out_sem, sp_in_sem, sp_out_sem):
        cid = lax.axis_index("c")
        sid = lax.axis_index("s")
        base = cid * rows_per_core + sid * rows_per_worker
        sp_base = cid * rows_per_core + stream_rows

        def sp_step(k):
            @pl.when(sid == 0)
            def _():
                cur = k % 2
                nxt = (k + 1) % 2
                if k + 1 < n_sp_chunks:
                    if k >= 1:
                        for b in range(batch):
                            pltpu.make_async_copy(
                                spbuf.at[nxt],
                                out_hbm.at[b, pl.ds(sp_base, SP_CHUNK)],
                                sp_out_sem,
                            ).wait()
                    pltpu.async_copy(
                        table_hbm.at[pl.ds(sp_base + (k + 1) * SP_CHUNK,
                                           SP_CHUNK)],
                        spbuf.at[nxt], sp_in_sem)
                pltpu.make_async_copy(
                    table_hbm.at[pl.ds(sp_base, SP_CHUNK)], spbuf.at[cur],
                    sp_in_sem,
                ).wait()
                for b in range(batch):
                    pltpu.async_copy(
                        spbuf.at[cur],
                        out_hbm.at[b, pl.ds(sp_base + k * SP_CHUNK, SP_CHUNK)],
                        sp_out_sem)

        @pl.when(sid == 0)
        def _sp_prime():
            pltpu.async_copy(
                table_hbm.at[pl.ds(sp_base, SP_CHUNK)], spbuf.at[0], sp_in_sem)

        pltpu.async_copy(
            table_hbm.at[pl.ds(base, CHUNK_ROWS)], buf.at[0], in_sem)

        sp_next = 0
        for c in range(n_chunks):
            cur = c % 2
            nxt = (c + 1) % 2
            if c + 1 < n_chunks:
                if c >= 1:
                    for b in range(batch):
                        pltpu.make_async_copy(
                            buf.at[nxt],
                            out_hbm.at[b, pl.ds(base, CHUNK_ROWS)], out_sem,
                        ).wait()
                pltpu.async_copy(
                    table_hbm.at[pl.ds(base + (c + 1) * CHUNK_ROWS, CHUNK_ROWS)],
                    buf.at[nxt], in_sem)
            pltpu.make_async_copy(
                table_hbm.at[pl.ds(base, CHUNK_ROWS)], buf.at[cur], in_sem
            ).wait()
            for b in range(batch):
                pltpu.async_copy(
                    buf.at[cur],
                    out_hbm.at[b, pl.ds(base + c * CHUNK_ROWS, CHUNK_ROWS)],
                    out_sem)
            if sp_next < n_sp_chunks:
                sp_step(sp_next)
                sp_next += 1
        while sp_next < n_sp_chunks:
            sp_step(sp_next)
            sp_next += 1

        for c in range(max(0, n_chunks - 2), n_chunks):
            cur = c % 2
            for b in range(batch):
                pltpu.make_async_copy(
                    buf.at[cur],
                    out_hbm.at[b, pl.ds(base, CHUNK_ROWS)], out_sem,
                ).wait()

        @pl.when(sid == 0)
        def _sp_drain():
            for k in range(max(0, n_sp_chunks - 2), n_sp_chunks):
                cur = k % 2
                for b in range(batch):
                    pltpu.make_async_copy(
                        spbuf.at[cur],
                        out_hbm.at[b, pl.ds(sp_base, SP_CHUNK)], sp_out_sem,
                    ).wait()

    return table_broadcast


def kernel(x, pos_table):
    batch, seq_len = x.shape
    d_model = pos_table.shape[1]
    return _make_sc_broadcast(batch, seq_len, d_model)(pos_table)

# --- scband reference (transcript-rebuilt; emitter-appended) ---
"""Pipeline reference for scband-position-emb-28235115004393 (READ-ONLY COPY).

The authoritative reference and input builder live on the scoring server;
editing this copy changes nothing except your own understanding.
"""

import jax, jax.numpy as jnp
import numpy as np

D_MODEL = 768
MAX_LEN = 8192
BATCH = 4
SEQ_LEN = 8192


def setup_inputs(seed: int = 0) -> dict:
    key = jax.random.key(seed)
    k1, k2 = jax.random.split(key)
    # x only matters for its shape (values are never read, just expand_as)
    x = jax.random.randint(k1, (BATCH, SEQ_LEN), 0, MAX_LEN, dtype=jnp.int32)
    # learned positional embedding table (nn.Embedding(max_len, d_model))
    pos_table = jax.random.normal(k2, (MAX_LEN, D_MODEL), dtype=jnp.float32)
    return {"x": x, "pos_table": pos_table}


def reference(x, pos_table):
    seq_len = x.shape[1]
    pos = jnp.arange(seq_len, dtype=jnp.int32)
    pos = jnp.broadcast_to(pos[None, :], x.shape)
    embedding = jnp.take(pos_table, pos, axis=0)
    return embedding

if __name__ == "__main__":
    import jax
    _d = setup_inputs()
    print(jax.jit(kernel)(*tuple(_d.values())))

</pallas_src>

<mosaic_0001>
#map = affine_map<(d0, d1) -> (0, 0)>
#map1 = affine_map<(d0, d1) -> (0, 0, 0)>
module attributes {stable_mosaic.version = 14 : i64} {
  func.func @table_broadcast(%arg0: i32, %arg1: i32, %arg2: memref<8192x768xf32, #tpu.memory_space<hbm>>, %arg3: memref<4x8192x768xf32, #tpu.memory_space<hbm>>, %arg4: memref<2x64x768xf32, #tpu.memory_space<vmem>>, %arg5: memref<2x256x768xf32, #tpu.memory_space<vmem_shared>>, %arg6: memref<!tpu.dma_semaphore, #tpu.memory_space<semaphore_mem>>, %arg7: memref<!tpu.dma_semaphore, #tpu.memory_space<semaphore_mem>>, %arg8: memref<!tpu.dma_semaphore, #tpu.memory_space<semaphore_mem>>, %arg9: memref<!tpu.dma_semaphore, #tpu.memory_space<semaphore_mem>>) attributes {dimension_semantics = [#tpu.dimension_semantics<core_parallel>, #tpu.dimension_semantics<subcore_parallel>], iteration_bounds = array<i64: 2, 16>, scalar_prefetch = 0 : i64, scratch_operands = 6 : i64, tpu.core_type = #tpu.core_type<sc_vector_subcore>, window_params = [{transform_indices = #map}, {transform_indices = #map1}]} {
    %mul3A = arith.constant 4096 : i32
    %mul3A_0 = arith.muli %arg0, %mul3A : i32
    %mul3A_1 = arith.constant 192 : i32
    %mul3A_2 = arith.muli %arg1, %mul3A_1 : i32
    %add3A = arith.addi %mul3A_0, %mul3A_2 : i32
    %mul3A_3 = arith.constant 4096 : i32
    %mul3A_4 = arith.muli %arg0, %mul3A_3 : i32
    %add3A_5 = arith.constant 3072 : i32
    %add3A_6 = arith.addi %mul3A_4, %add3A_5 : i32
    %eq3A = arith.constant 0 : i32
    %eq3A_7 = arith.cmpi eq, %arg1, %eq3A : i32
    %convert_element_type3A = arith.extui %eq3A_7 : i1 to i32
    %cond3A = arith.constant 0 : i32
    %cond3A_8 = arith.cmpi ne, %convert_element_type3A, %cond3A : i32
    scf.if %cond3A_8 {
      %dma_start3A_522 = arith.constant 0 : i32
      %dma_start3A_523 = arith.constant 0 : i32
      %dma_start3A_524 = arith.constant 0 : i32
      %dma_start3A_525 = tpu.memref_slice %arg5[%dma_start3A_522, %dma_start3A_523, %dma_start3A_524] : memref<2x256x768xf32, #tpu.memory_space<vmem_shared>> -> memref<1x256x768xf32, #tpu.memory_space<vmem_shared>>
      %dma_start3A_526 = tpu.memref_squeeze %dma_start3A_525 : memref<1x256x768xf32, #tpu.memory_space<vmem_shared>> -> memref<256x768xf32, #tpu.memory_space<vmem_shared>>
      %dma_start3A_527 = arith.constant 0 : i32
      %dma_start3A_528 = tpu.memref_slice %arg2[%add3A_6, %dma_start3A_527] : memref<8192x768xf32, #tpu.memory_space<hbm>> -> memref<256x768xf32, #tpu.memory_space<hbm>>
      tpu.enqueue_dma source(%dma_start3A_528 : memref<256x768xf32, #tpu.memory_space<hbm>>) target(%dma_start3A_526 : memref<256x768xf32, #tpu.memory_space<vmem_shared>>) target_semaphore(%arg8 : memref<!tpu.dma_semaphore, #tpu.memory_space<semaphore_mem>>)
    } else {
    }
    %dma_start3A = arith.constant 0 : i32
    %dma_start3A_9 = arith.constant 0 : i32
    %dma_start3A_10 = arith.constant 0 : i32
    %dma_start3A_11 = tpu.memref_slice %arg4[%dma_start3A, %dma_start3A_9, %dma_start3A_10] : memref<2x64x768xf32, #tpu.memory_space<vmem>> -> memref<1x64x768xf32, #tpu.memory_space<vmem>>
    %dma_start3A_12 = tpu.memref_squeeze %dma_start3A_11 : memref<1x64x768xf32, #tpu.memory_space<vmem>> -> memref<64x768xf32, #tpu.memory_space<vmem>>
    %dma_start3A_13 = arith.constant 0 : i32
    %dma_start3A_14 = tpu.memref_slice %arg2[%add3A, %dma_start3A_13] : memref<8192x768xf32, #tpu.memory_space<hbm>> -> memref<64x768xf32, #tpu.memory_space<hbm>>
    %dma_start3A_15 = arith.constant 0 : i32
    %dma_start3A_16 = arith.constant 0 : i32
    %dma_start3A_17 = tpu.memref_slice %arg4[%dma_start3A, %dma_start3A_15, %dma_start3A_16] : memref<2x64x768xf32, #tpu.memory_space<vmem>> -> memref<1x64x768xf32, #tpu.memory_space<vmem>>
    %dma_start3A_18 = tpu.memref_squeeze %dma_start3A_17 : memref<1x64x768xf32, #tpu.memory_space<vmem>> -> memref<64x768xf32, #tpu.memory_space<vmem>>
    %dma_start3A_19 = arith.constant 0 : i32
    %dma_start3A_20 = tpu.memref_slice %arg2[%add3A, %dma_start3A_19] : memref<8192x768xf32, #tpu.memory_space<hbm>> -> memref<64x768xf32, #tpu.memory_space<hbm>>
    tpu.enqueue_dma source(%dma_start3A_20 : memref<64x768xf32, #tpu.memory_space<hbm>>) target(%dma_start3A_18 : memref<64x768xf32, #tpu.memory_space<vmem>>) target_semaphore(%arg6 : memref<!tpu.dma_semaphore, #tpu.memory_space<semaphore_mem>>)
    %add3A_21 = arith.constant 64 : i32
    %add3A_22 = arith.addi %add3A, %add3A_21 : i32
    %dma_start3A_23 = arith.constant 1 : i32
    %dma_start3A_24 = arith.constant 0 : i32
    %dma_start3A_25 = arith.constant 0 : i32
    %dma_start3A_26 = tpu.memref_slice %arg4[%dma_start3A_23, %dma_start3A_24, %dma_start3A_25] : memref<2x64x768xf32, #tpu.memory_space<vmem>> -> memref<1x64x768xf32, #tpu.memory_space<vmem>>
    %dma_start3A_27 = tpu.memref_squeeze %dma_start3A_26 : memref<1x64x768xf32, #tpu.memory_space<vmem>> -> memref<64x768xf32, #tpu.memory_space<vmem>>
    %dma_start3A_28 = arith.constant 0 : i32
    %dma_start3A_29 = tpu.memref_slice %arg2[%add3A_22, %dma_start3A_28] : memref<8192x768xf32, #tpu.memory_space<hbm>> -> memref<64x768xf32, #tpu.memory_space<hbm>>
    %dma_start3A_30 = arith.constant 0 : i32
    %dma_start3A_31 = arith.constant 0 : i32
    %dma_start3A_32 = tpu.memref_slice %arg4[%dma_start3A_23, %dma_start3A_30, %dma_start3A_31] : memref<2x64x768xf32, #tpu.memory_space<vmem>> -> memref<1x64x768xf32, #tpu.memory_space<vmem>>
    %dma_start3A_33 = tpu.memref_squeeze %dma_start3A_32 : memref<1x64x768xf32, #tpu.memory_space<vmem>> -> memref<64x768xf32, #tpu.memory_space<vmem>>
    %dma_start3A_34 = arith.constant 0 : i32
    %dma_start3A_35 = tpu.memref_slice %arg2[%add3A_22, %dma_start3A_34] : memref<8192x768xf32, #tpu.memory_space<hbm>> -> memref<64x768xf32, #tpu.memory_space<hbm>>
    tpu.enqueue_dma source(%dma_start3A_35 : memref<64x768xf32, #tpu.memory_space<hbm>>) target(%dma_start3A_33 : memref<64x768xf32, #tpu.memory_space<vmem>>) target_semaphore(%arg6 : memref<!tpu.dma_semaphore, #tpu.memory_space<semaphore_mem>>)
    %dma_wait3A = arith.constant 0 : i32
    %dma_wait3A_36 = arith.constant 0 : i32
    %dma_wait3A_37 = arith.constant 0 : i32
    %dma_wait3A_38 = tpu.memref_slice %arg4[%dma_wait3A, %dma_wait3A_36, %dma_wait3A_37] : memref<2x64x768xf32, #tpu.memory_space<vmem>> -> memref<1x64x768xf32, #tpu.memory_space<vmem>>
    %dma_wait3A_39 = tpu.memref_squeeze %dma_wait3A_38 : memref<1x64x768xf32, #tpu.memory_space<vmem>> -> memref<64x768xf32, #tpu.memory_space<vmem>>
    %dma_wait3A_40 = arith.constant 0 : i32
    %dma_wait3A_41 = tpu.memref_slice %arg2[%add3A, %dma_wait3A_40] : memref<8192x768xf32, #tpu.memory_space<hbm>> -> memref<64x768xf32, #tpu.memory_space<hbm>>
    %dma_wait3A_42 = arith.constant 0 : i32
    %dma_wait3A_43 = arith.constant 0 : i32
    %dma_wait3A_44 = tpu.memref_slice %arg4[%dma_wait3A, %dma_wait3A_42, %dma_wait3A_43] : memref<2x64x768xf32, #tpu.memory_space<vmem>> -> memref<1x64x768xf32, #tpu.memory_space<vmem>>
    %dma_wait3A_45 = tpu.memref_squeeze %dma_wait3A_44 : memref<1x64x768xf32, #tpu.memory_space<vmem>> -> memref<64x768xf32, #tpu.memory_space<vmem>>
    %dma_wait3A_46 = arith.constant 0 : i32
    %dma_wait3A_47 = tpu.memref_slice %arg2[%add3A, %dma_wait3A_46] : memref<8192x768xf32, #tpu.memory_space<hbm>> -> memref<64x768xf32, #tpu.memory_space<hbm>>
    tpu.wait_dma2 semaphore(%arg6 : memref<!tpu.dma_semaphore, #tpu.memory_space<semaphore_mem>>) src(%dma_wait3A_47 : memref<64x768xf32, #tpu.memory_space<hbm>>) dst(%dma_wait3A_45 : memref<64x768xf32, #tpu.memory_space<vmem>>)
    %add3A_48 = arith.constant 0 : i32
    %add3A_49 = arith.addi %add3A, %add3A_48 : i32
    %dma_start3A_50 = arith.constant 0 : i32
    %dma_start3A_51 = arith.constant 0 : i32
    %dma_start3A_52 = arith.constant 0 : i32
    %dma_start3A_53 = arith.constant 0 : i32
    %dma_start3A_54 = tpu.memref_slice %arg4[%dma_start3A_50, %dma_start3A_52, %dma_start3A_53] : memref<2x64x768xf32, #tpu.memory_space<vmem>> -> memref<1x64x768xf32, #tpu.memory_space<vmem>>
    %dma_start3A_55 = tpu.memref_squeeze %dma_start3A_54 : memref<1x64x768xf32, #tpu.memory_space<vmem>> -> memref<64x768xf32, #tpu.memory_space<vmem>>
    %dma_start3A_56 = arith.constant 0 : i32
    %dma_start3A_57 = tpu.memref_slice %arg3[%dma_start3A_51, %add3A_49, %dma_start3A_56] : memref<4x8192x768xf32, #tpu.memory_space<hbm>> -> memref<1x64x768xf32, #tpu.memory_space<hbm>>
    %dma_start3A_58 = tpu.memref_squeeze %dma_start3A_57 : memref<1x64x768xf32, #tpu.memory_space<hbm>> -> memref<64x768xf32, #tpu.memory_space<hbm>>
    %dma_start3A_59 = arith.constant 0 : i32
    %dma_start3A_60 = tpu.memref_slice %arg3[%dma_start3A_51, %add3A_49, %dma_start3A_59] : memref<4x8192x768xf32, #tpu.memory_space<hbm>> -> memref<1x64x768xf32, #tpu.memory_space<hbm>>
    %dma_start3A_61 = tpu.memref_squeeze %dma_start3A_60 : memref<1x64x768xf32, #tpu.memory_space<hbm>> -> memref<64x768xf32, #tpu.memory_space<hbm>>
    %dma_start3A_62 = arith.constant 0 : i32
    %dma_start3A_63 = arith.constant 0 : i32
    %dma_start3A_64 = tpu.memref_slice %arg4[%dma_start3A_50, %dma_start3A_62, %dma_start3A_63] : memref<2x64x768xf32, #tpu.memory_space<vmem>> -> memref<1x64x768xf32, #tpu.memory_space<vmem>>
    %dma_start3A_65 = tpu.memref_squeeze %dma_start3A_64 : memref<1x64x768xf32, #tpu.memory_space<vmem>> -> memref<64x768xf32, #tpu.memory_space<vmem>>
    tpu.enqueue_dma source(%dma_start3A_65 : memref<64x768xf32, #tpu.memory_space<vmem>>) target(%dma_start3A_61 : memref<64x768xf32, #tpu.memory_space<hbm>>) target_semaphore(%arg7 : memref<!tpu.dma_semaphore, #tpu.memory_space<semaphore_mem>>)
    %add3A_66 = arith.constant 0 : i32
    %add3A_67 = arith.addi %add3A, %add3A_66 : i32
    %dma_start3A_68 = arith.constant 0 : i32
    %dma_start3A_69 = arith.constant 1 : i32
    %dma_start3A_70 = arith.constant 0 : i32
    %dma_start3A_71 = arith.constant 0 : i32
    %dma_start3A_72 = tpu.memref_slice %arg4[%dma_start3A_68, %dma_start3A_70, %dma_start3A_71] : memref<2x64x768xf32, #tpu.memory_space<vmem>> -> memref<1x64x768xf32, #tpu.memory_space<vmem>>
    %dma_start3A_73 = tpu.memref_squeeze %dma_start3A_72 : memref<1x64x768xf32, #tpu.memory_space<vmem>> -> memref<64x768xf32, #tpu.memory_space<vmem>>
    %dma_start3A_74 = arith.constant 0 : i32
    %dma_start3A_75 = tpu.memref_slice %arg3[%dma_start3A_69, %add3A_67, %dma_start3A_74] : memref<4x8192x768xf32, #tpu.memory_space<hbm>> -> memref<1x64x768xf32, #tpu.memory_space<hbm>>
    %dma_start3A_76 = tpu.memref_squeeze %dma_start3A_75 : memref<1x64x768xf32, #tpu.memory_space<hbm>> -> memref<64x768xf32, #tpu.memory_space<hbm>>
    %dma_start3A_77 = arith.constant 0 : i32
    %dma_start3A_78 = tpu.memref_slice %arg3[%dma_start3A_69, %add3A_67, %dma_start3A_77] : memref<4x8192x768xf32, #tpu.memory_space<hbm>> -> memref<1x64x768xf32, #tpu.memory_space<hbm>>
    %dma_start3A_79 = tpu.memref_squeeze %dma_start3A_78 : memref<1x64x768xf32, #tpu.memory_space<hbm>> -> memref<64x768xf32, #tpu.memory_space<hbm>>
    %dma_start3A_80 = arith.constant 0 : i32
    %dma_start3A_81 = arith.constant 0 : i32
    %dma_start3A_82 = tpu.memref_slice %arg4[%dma_start3A_68, %dma_start3A_80, %dma_start3A_81] : memref<2x64x768xf32, #tpu.memory_space<vmem>> -> memref<1x64x768xf32, #tpu.memory_space<vmem>>
    %dma_start3A_83 = tpu.memref_squeeze %dma_start3A_82 : memref<1x64x768xf32, #tpu.memory_space<vmem>> -> memref<64x768xf32, #tpu.memory_space<vmem>>
    tpu.enqueue_dma source(%dma_start3A_83 : memref<64x768xf32, #tpu.memory_space<vmem>>) target(%dma_start3A_79 : memref<64x768xf32, #tpu.memory_space<hbm>>) target_semaphore(%arg7 : memref<!tpu.dma_semaphore, #tpu.memory_space<semaphore_mem>>)
    %add3A_84 = arith.constant 0 : i32
    %add3A_85 = arith.addi %add3A, %add3A_84 : i32
    %dma_start3A_86 = arith.constant 0 : i32
    %dma_start3A_87 = arith.constant 2 : i32
    %dma_start3A_88 = arith.constant 0 : i32
    %dma_start3A_89 = arith.constant 0 : i32
    %dma_start3A_90 = tpu.memref_slice %arg4[%dma_start3A_86, %dma_start3A_88, %dma_start3A_89] : memref<2x64x768xf32, #tpu.memory_space<vmem>> -> memref<1x64x768xf32, #tpu.memory_space<vmem>>
    %dma_start3A_91 = tpu.memref_squeeze %dma_start3A_90 : memref<1x64x768xf32, #tpu.memory_space<vmem>> -> memref<64x768xf32, #tpu.memory_space<vmem>>
    %dma_start3A_92 = arith.constant 0 : i32
    %dma_start3A_93 = tpu.memref_slice %arg3[%dma_start3A_87, %add3A_85, %dma_start3A_92] : memref<4x8192x768xf32, #tpu.memory_space<hbm>> -> memref<1x64x768xf32, #tpu.memory_space<hbm>>
    %dma_start3A_94 = tpu.memref_squeeze %dma_start3A_93 : memref<1x64x768xf32, #tpu.memory_space<hbm>> -> memref<64x768xf32, #tpu.memory_space<hbm>>
    %dma_start3A_95 = arith.constant 0 : i32
    %dma_start3A_96 = tpu.memref_slice %arg3[%dma_start3A_87, %add3A_85, %dma_start3A_95] : memref<4x8192x768xf32, #tpu.memory_space<hbm>> -> memref<1x64x768xf32, #tpu.memory_space<hbm>>
    %dma_start3A_97 = tpu.memref_squeeze %dma_start3A_96 : memref<1x64x768xf32, #tpu.memory_space<hbm>> -> memref<64x768xf32, #tpu.memory_space<hbm>>
    %dma_start3A_98 = arith.constant 0 : i32
    %dma_start3A_99 = arith.constant 0 : i32
    %dma_start3A_100 = tpu.memref_slice %arg4[%dma_start3A_86, %dma_start3A_98, %dma_start3A_99] : memref<2x64x768xf32, #tpu.memory_space<vmem>> -> memref<1x64x768xf32, #tpu.memory_space<vmem>>
    %dma_start3A_101 = tpu.memref_squeeze %dma_start3A_100 : memref<1x64x768xf32, #tpu.memory_space<vmem>> -> memref<64x768xf32, #tpu.memory_space<vmem>>
    tpu.enqueue_dma source(%dma_start3A_101 : memref<64x768xf32, #tpu.memory_space<vmem>>) target(%dma_start3A_97 : memref<64x768xf32, #tpu.memory_space<hbm>>) target_semaphore(%arg7 : memref<!tpu.dma_semaphore, #tpu.memory_space<semaphore_mem>>)
    %add3A_102 = arith.constant 0 : i32
    %add3A_103 = arith.addi %add3A, %add3A_102 : i32
    %dma_start3A_104 = arith.constant 0 : i32
    %dma_start3A_105 = arith.constant 3 : i32
    %dma_start3A_106 = arith.constant 0 : i32
    %dma_start3A_107 = arith.constant 0 : i32
    %dma_start3A_108 = tpu.memref_slice %arg4[%dma_start3A_104, %dma_start3A_106, %dma_start3A_107] : memref<2x64x768xf32, #tpu.memory_space<vmem>> -> memref<1x64x768xf32, #tpu.memory_space<vmem>>
    %dma_start3A_109 = tpu.memref_squeeze %dma_start3A_108 : memref<1x64x768xf32, #tpu.memory_space<vmem>> -> memref<64x768xf32, #tpu.memory_space<vmem>>
    %dma_start3A_110 = arith.constant 0 : i32
    %dma_start3A_111 = tpu.memref_slice %arg3[%dma_start3A_105, %add3A_103, %dma_start3A_110] : memref<4x8192x768xf32, #tpu.memory_space<hbm>> -> memref<1x64x768xf32, #tpu.memory_space<hbm>>
    %dma_start3A_112 = tpu.memref_squeeze %dma_start3A_111 : memref<1x64x768xf32, #tpu.memory_space<hbm>> -> memref<64x768xf32, #tpu.memory_space<hbm>>
    %dma_start3A_113 = arith.constant 0 : i32
    %dma_start3A_114 = tpu.memref_slice %arg3[%dma_start3A_105, %add3A_103, %dma_start3A_113] : memref<4x8192x768xf32, #tpu.memory_space<hbm>> -> memref<1x64x768xf32, #tpu.memory_space<hbm>>
    %dma_start3A_115 = tpu.memref_squeeze %dma_start3A_114 : memref<1x64x768xf32, #tpu.memory_space<hbm>> -> memref<64x768xf32, #tpu.memory_space<hbm>>
    %dma_start3A_116 = arith.constant 0 : i32
    %dma_start3A_117 = arith.constant 0 : i32
    %dma_start3A_118 = tpu.memref_slice %arg4[%dma_start3A_104, %dma_start3A_116, %dma_start3A_117] : memref<2x64x768xf32, #tpu.memory_space<vmem>> -> memref<1x64x768xf32, #tpu.memory_space<vmem>>
    %dma_start3A_119 = tpu.memref_squeeze %dma_start3A_118 : memref<1x64x768xf32, #tpu.memory_space<vmem>> -> memref<64x768xf32, #tpu.memory_space<vmem>>
    tpu.enqueue_dma source(%dma_start3A_119 : memref<64x768xf32, #tpu.memory_space<vmem>>) target(%dma_start3A_115 : memref<64x768xf32, #tpu.memory_space<hbm>>) target_semaphore(%arg7 : memref<!tpu.dma_semaphore, #tpu.memory_space<semaphore_mem>>)
    %eq3A_120 = arith.constant 0 : i32
    %eq3A_121 = arith.cmpi eq, %arg1, %eq3A_120 : i32
    %convert_element_type3A_122 = arith.extui %eq3A_121 : i1 to i32
    %cond3A_123 = arith.constant 0 : i32
    %cond3A_124 = arith.cmpi ne, %convert_element_type3A_122, %cond3A_123 : i32
    scf.if %cond3A_124 {
      %add3A_522 = arith.constant 256 : i32
      %add3A_523 = arith.addi %add3A_6, %add3A_522 : i32
      %dma_start3A_524 = arith.constant 1 : i32
      %dma_start3A_525 = arith.constant 0 : i32
      %dma_start3A_526 = arith.constant 0 : i32
      %dma_start3A_527 = tpu.memref_slice %arg5[%dma_start3A_524, %dma_start3A_525, %dma_start3A_526] : memref<2x256x768xf32, #tpu.memory_space<vmem_shared>> -> memref<1x256x768xf32, #tpu.memory_space<vmem_shared>>
      %dma_start3A_528 = tpu.memref_squeeze %dma_start3A_527 : memref<1x256x768xf32, #tpu.memory_space<vmem_shared>> -> memref<256x768xf32, #tpu.memory_space<vmem_shared>>
      %dma_start3A_529 = arith.constant 0 : i32
      %dma_start3A_530 = tpu.memref_slice %arg2[%add3A_523, %dma_start3A_529] : memref<8192x768xf32, #tpu.memory_space<hbm>> -> memref<256x768xf32, #tpu.memory_space<hbm>>
      tpu.enqueue_dma source(%dma_start3A_530 : memref<256x768xf32, #tpu.memory_space<hbm>>) target(%dma_start3A_528 : memref<256x768xf32, #tpu.memory_space<vmem_shared>>) target_semaphore(%arg8 : memref<!tpu.dma_semaphore, #tpu.memory_space<semaphore_mem>>)
      %dma_wait3A_531 = arith.constant 0 : i32
      %dma_wait3A_532 = arith.constant 0 : i32
      %dma_wait3A_533 = arith.constant 0 : i32
      %dma_wait3A_534 = tpu.memref_slice %arg5[%dma_wait3A_531, %dma_wait3A_532, %dma_wait3A_533] : memref<2x256x768xf32, #tpu.memory_space<vmem_shared>> -> memref<1x256x768xf32, #tpu.memory_space<vmem_shared>>
      %dma_wait3A_535 = tpu.memref_squeeze %dma_wait3A_534 : memref<1x256x768xf32, #tpu.memory_space<vmem_shared>> -> memref<256x768xf32, #tpu.memory_space<vmem_shared>>
      %dma_wait3A_536 = arith.constant 0 : i32
      %dma_wait3A_537 = tpu.memref_slice %arg2[%add3A_6, %dma_wait3A_536] : memref<8192x768xf32, #tpu.memory_space<hbm>> -> memref<256x768xf32, #tpu.memory_space<hbm>>
      tpu.wait_dma2 semaphore(%arg8 : memref<!tpu.dma_semaphore, #tpu.memory_space<semaphore_mem>>) src(%dma_wait3A_537 : memref<256x768xf32, #tpu.memory_space<hbm>>) dst(%dma_wait3A_535 : memref<256x768xf32, #tpu.memory_space<vmem_shared>>)
      %add3A_538 = arith.constant 0 : i32
      %add3A_539 = arith.addi %add3A_6, %add3A_538 : i32
      %dma_start3A_540 = arith.constant 0 : i32
      %dma_start3A_541 = arith.constant 0 : i32
      %dma_start3A_542 = arith.constant 0 : i32
      %dma_start3A_543 = tpu.memref_slice %arg3[%dma_start3A_541, %add3A_539, %dma_start3A_542] : memref<4x8192x768xf32, #tpu.memory_space<hbm>> -> memref<1x256x768xf32, #tpu.memory_space<hbm>>
      %dma_start3A_544 = tpu.memref_squeeze %dma_start3A_543 : memref<1x256x768xf32, #tpu.memory_space<hbm>> -> memref<256x768xf32, #tpu.memory_space<hbm>>
      %dma_start3A_545 = arith.constant 0 : i32
      %dma_start3A_546 = arith.constant 0 : i32
      %dma_start3A_547 = tpu.memref_slice %arg5[%dma_start3A_540, %dma_start3A_545, %dma_start3A_546] : memref<2x256x768xf32, #tpu.memory_space<vmem_shared>> -> memref<1x256x768xf32, #tpu.memory_space<vmem_shared>>
      %dma_start3A_548 = tpu.memref_squeeze %dma_start3A_547 : memref<1x256x768xf32, #tpu.memory_space<vmem_shared>> -> memref<256x768xf32, #tpu.memory_space<vmem_shared>>
      tpu.enqueue_dma source(%dma_start3A_548 : memref<256x768xf32, #tpu.memory_space<vmem_shared>>) target(%dma_start3A_544 : memref<256x768xf32, #tpu.memory_space<hbm>>) target_semaphore(%arg9 : memref<!tpu.dma_semaphore, #tpu.memory_space<semaphore_mem>>)
      %add3A_549 = arith.constant 0 : i32
      %add3A_550 = arith.addi %add3A_6, %add3A_549 : i32
      %dma_start3A_551 = arith.constant 0 : i32
      %dma_start3A_552 = arith.constant 1 : i32
      %dma_start3A_553 = arith.constant 0 : i32
      %dma_start3A_554 = tpu.memref_slice %arg3[%dma_start3A_552, %add3A_550, %dma_start3A_553] : memref<4x8192x768xf32, #tpu.memory_space<hbm>> -> memref<1x256x768xf32, #tpu.memory_space<hbm>>
      %dma_start3A_555 = tpu.memref_squeeze %dma_start3A_554 : memref<1x256x768xf32, #tpu.memory_space<hbm>> -> memref<256x768xf32, #tpu.memory_space<hbm>>
      %dma_start3A_556 = arith.constant 0 : i32
      %dma_start3A_557 = arith.constant 0 : i32
      %dma_start3A_558 = tpu.memref_slice %arg5[%dma_start3A_551, %dma_start3A_556, %dma_start3A_557] : memref<2x256x768xf32, #tpu.memory_space<vmem_shared>> -> memref<1x256x768xf32, #tpu.memory_space<vmem_shared>>
      %dma_start3A_559 = tpu.memref_squeeze %dma_start3A_558 : memref<1x256x768xf32, #tpu.memory_space<vmem_shared>> -> memref<256x768xf32, #tpu.memory_space<vmem_shared>>
      tpu.enqueue_dma source(%dma_start3A_559 : memref<256x768xf32, #tpu.memory_space<vmem_shared>>) target(%dma_start3A_555 : memref<256x768xf32, #tpu.memory_space<hbm>>) target_semaphore(%arg9 : memref<!tpu.dma_semaphore, #tpu.memory_space<semaphore_mem>>)
      %add3A_560 = arith.constant 0 : i32
      %add3A_561 = arith.addi %add3A_6, %add3A_560 : i32
      %dma_start3A_562 = arith.constant 0 : i32
      %dma_start3A_563 = arith.constant 2 : i32
      %dma_start3A_564 = arith.constant 0 : i32
      %dma_start3A_565 = tpu.memref_slice %arg3[%dma_start3A_563, %add3A_561, %dma_start3A_564] : memref<4x8192x768xf32, #tpu.memory_space<hbm>> -> memref<1x256x768xf32, #tpu.memory_space<hbm>>
      %dma_start3A_566 = tpu.memref_squeeze %dma_start3A_565 : memref<1x256x768xf32, #tpu.memory_space<hbm>> -> memref<256x768xf32, #tpu.memory_space<hbm>>
      %dma_start3A_567 = arith.constant 0 : i32
      %dma_start3A_568 = arith.constant 0 : i32
      %dma_start3A_569 = tpu.memref_slice %arg5[%dma_start3A_562, %dma_start3A_567, %dma_start3A_568] : memref<2x256x768xf32, #tpu.memory_space<vmem_shared>> -> memref<1x256x768xf32, #tpu.memory_space<vmem_shared>>
      %dma_start3A_570 = tpu.memref_squeeze %dma_start3A_569 : memref<1x256x768xf32, #tpu.memory_space<vmem_shared>> -> memref<256x768xf32, #tpu.memory_space<vmem_shared>>
      tpu.enqueue_dma source(%dma_start3A_570 : memref<256x768xf32, #tpu.memory_space<vmem_shared>>) target(%dma_start3A_566 : memref<256x768xf32, #tpu.memory_space<hbm>>) target_semaphore(%arg9 : memref<!tpu.dma_semaphore, #tpu.memory_space<semaphore_mem>>)
      %add3A_571 = arith.constant 0 : i32
      %add3A_572 = arith.addi %add3A_6, %add3A_571 : i32
      %dma_start3A_573 = arith.constant 0 : i32
      %dma_start3A_574 = arith.constant 3 : i32
      %dma_start3A_575 = arith.constant 0 : i32
      %dma_start3A_576 = tpu.memref_slice %arg3[%dma_start3A_574, %add3A_572, %dma_start3A_575] : memref<4x8192x768xf32, #tpu.memory_space<hbm>> -> memref<1x256x768xf32, #tpu.memory_space<hbm>>
      %dma_start3A_577 = tpu.memref_squeeze %dma_start3A_576 : memref<1x256x768xf32, #tpu.memory_space<hbm>> -> memref<256x768xf32, #tpu.memory_space<hbm>>
      %dma_start3A_578 = arith.constant 0 : i32
      %dma_start3A_579 = arith.constant 0 : i32
      %dma_start3A_580 = tpu.memref_slice %arg5[%dma_start3A_573, %dma_start3A_578, %dma_start3A_579] : memref<2x256x768xf32, #tpu.memory_space<vmem_shared>> -> memref<1x256x768xf32, #tpu.memory_space<vmem_shared>>
      %dma_start3A_581 = tpu.memref_squeeze %dma_start3A_580 : memref<1x256x768xf32, #tpu.memory_space<vmem_shared>> -> memref<256x768xf32, #tpu.memory_space<vmem_shared>>
      tpu.enqueue_dma source(%dma_start3A_581 : memref<256x768xf32, #tpu.memory_space<vmem_shared>>) target(%dma_start3A_577 : memref<256x768xf32, #tpu.memory_space<hbm>>) target_semaphore(%arg9 : memref<!tpu.dma_semaphore, #tpu.memory_space<semaphore_mem>>)
    } else {
    }
    %dma_wait3A_125 = arith.constant 0 : i32
    %dma_wait3A_126 = arith.constant 0 : i32
    %dma_wait3A_127 = arith.constant 0 : i32
    %dma_wait3A_128 = arith.constant 0 : i32
    %dma_wait3A_129 = tpu.memref_slice %arg4[%dma_wait3A_125, %dma_wait3A_127, %dma_wait3A_128] : memref<2x64x768xf32, #tpu.memory_space<vmem>> -> memref<1x64x768xf32, #tpu.memory_space<vmem>>
    %dma_wait3A_130 = tpu.memref_squeeze %dma_wait3A_129 : memref<1x64x768xf32, #tpu.memory_space<vmem>> -> memref<64x768xf32, #tpu.memory_space<vmem>>
    %dma_wait3A_131 = arith.constant 0 : i32
    %dma_wait3A_132 = tpu.memref_slice %arg3[%dma_wait3A_126, %add3A, %dma_wait3A_131] : memref<4x8192x768xf32, #tpu.memory_space<hbm>> -> memref<1x64x768xf32, #tpu.memory_space<hbm>>
    %dma_wait3A_133 = tpu.memref_squeeze %dma_wait3A_132 : memref<1x64x768xf32, #tpu.memory_space<hbm>> -> memref<64x768xf32, #tpu.memory_space<hbm>>
    %dma_wait3A_134 = arith.constant 0 : i32
    %dma_wait3A_135 = tpu.memref_slice %arg3[%dma_wait3A_126, %add3A, %dma_wait3A_134] : memref<4x8192x768xf32, #tpu.memory_space<hbm>> -> memref<1x64x768xf32, #tpu.memory_space<hbm>>
    %dma_wait3A_136 = tpu.memref_squeeze %dma_wait3A_135 : memref<1x64x768xf32, #tpu.memory_space<hbm>> -> memref<64x768xf32, #tpu.memory_space<hbm>>
    %dma_wait3A_137 = arith.constant 0 : i32
    %dma_wait3A_138 = arith.constant 0 : i32
    %dma_wait3A_139 = tpu.memref_slice %arg4[%dma_wait3A_125, %dma_wait3A_137, %dma_wait3A_138] : memref<2x64x768xf32, #tpu.memory_space<vmem>> -> memref<1x64x768xf32, #tpu.memory_space<vmem>>
    %dma_wait3A_140 = tpu.memref_squeeze %dma_wait3A_139 : memref<1x64x768xf32, #tpu.memory_space<vmem>> -> memref<64x768xf32, #tpu.memory_space<vmem>>
    tpu.wait_dma2 semaphore(%arg7 : memref<!tpu.dma_semaphore, #tpu.memory_space<semaphore_mem>>) src(%dma_wait3A_140 : memref<64x768xf32, #tpu.memory_space<vmem>>) dst(%dma_wait3A_136 : memref<64x768xf32, #tpu.memory_space<hbm>>)
    %dma_wait3A_141 = arith.constant 0 : i32
    %dma_wait3A_142 = arith.constant 1 : i32
    %dma_wait3A_143 = arith.constant 0 : i32
    %dma_wait3A_144 = arith.constant 0 : i32
    %dma_wait3A_145 = tpu.memref_slice %arg4[%dma_wait3A_141, %dma_wait3A_143, %dma_wait3A_144] : memref<2x64x768xf32, #tpu.memory_space<vmem>> -> memref<1x64x768xf32, #tpu.memory_space<vmem>>
    %dma_wait3A_146 = tpu.memref_squeeze %dma_wait3A_145 : memref<1x64x768xf32, #tpu.memory_space<vmem>> -> memref<64x768xf32, #tpu.memory_space<vmem>>
    %dma_wait3A_147 = arith.constant 0 : i32
    %dma_wait3A_148 = tpu.memref_slice %arg3[%dma_wait3A_142, %add3A, %dma_wait3A_147] : memref<4x8192x768xf32, #tpu.memory_space<hbm>> -> memref<1x64x768xf32, #tpu.memory_space<hbm>>
    %dma_wait3A_149 = tpu.memref_squeeze %dma_wait3A_148 : memref<1x64x768xf32, #tpu.memory_space<hbm>> -> memref<64x768xf32, #tpu.memory_space<hbm>>
    %dma_wait3A_150 = arith.constant 0 : i32
    %dma_wait3A_151 = tpu.memref_slice %arg3[%dma_wait3A_142, %add3A, %dma_wait3A_150] : memref<4x8192x768xf32, #tpu.memory_space<hbm>> -> memref<1x64x768xf32, #tpu.memory_space<hbm>>
    %dma_wait3A_152 = tpu.memref_squeeze %dma_wait3A_151 : memref<1x64x768xf32, #tpu.memory_space<hbm>> -> memref<64x768xf32, #tpu.memory_space<hbm>>
    %dma_wait3A_153 = arith.constant 0 : i32
    %dma_wait3A_154 = arith.constant 0 : i32
    %dma_wait3A_155 = tpu.memref_slice %arg4[%dma_wait3A_141, %dma_wait3A_153, %dma_wait3A_154] : memref<2x64x768xf32, #tpu.memory_space<vmem>> -> memref<1x64x768xf32, #tpu.memory_space<vmem>>
    %dma_wait3A_156 = tpu.memref_squeeze %dma_wait3A_155 : memref<1x64x768xf32, #tpu.memory_space<vmem>> -> memref<64x768xf32, #tpu.memory_space<vmem>>
    tpu.wait_dma2 semaphore(%arg7 : memref<!tpu.dma_semaphore, #tpu.memory_space<semaphore_mem>>) src(%dma_wait3A_156 : memref<64x768xf32, #tpu.memory_space<vmem>>) dst(%dma_wait3A_152 : memref<64x768xf32, #tpu.memory_space<hbm>>)
    %dma_wait3A_157 = arith.constant 0 : i32
    %dma_wait3A_158 = arith.constant 2 : i32
    %dma_wait3A_159 = arith.constant 0 : i32
    %dma_wait3A_160 = arith.constant 0 : i32
    %dma_wait3A_161 = tpu.memref_slice %arg4[%dma_wait3A_157, %dma_wait3A_159, %dma_wait3A_160] : memref<2x64x768xf32, #tpu.memory_space<vmem>> -> memref<1x64x768xf32, #tpu.memory_space<vmem>>
    %dma_wait3A_162 = tpu.memref_squeeze %dma_wait3A_161 : memref<1x64x768xf32, #tpu.memory_space<vmem>> -> memref<64x768xf32, #tpu.memory_space<vmem>>
    %dma_wait3A_163 = arith.constant 0 : i32
    %dma_wait3A_164 = tpu.memref_slice %arg3[%dma_wait3A_158, %add3A, %dma_wait3A_163] : memref<4x8192x768xf32, #tpu.memory_space<hbm>> -> memref<1x64x768xf32, #tpu.memory_space<hbm>>
    %dma_wait3A_165 = tpu.memref_squeeze %dma_wait3A_164 : memref<1x64x768xf32, #tpu.memory_space<hbm>> -> memref<64x768xf32, #tpu.memory_space<hbm>>
    %dma_wait3A_166 = arith.constant 0 : i32
    %dma_wait3A_167 = tpu.memref_slice %arg3[%dma_wait3A_158, %add3A, %dma_wait3A_166] : memref<4x8192x768xf32, #tpu.memory_space<hbm>> -> memref<1x64x768xf32, #tpu.memory_space<hbm>>
    %dma_wait3A_168 = tpu.memref_squeeze %dma_wait3A_167 : memref<1x64x768xf32, #tpu.memory_space<hbm>> -> memref<64x768xf32, #tpu.memory_space<hbm>>
    %dma_wait3A_169 = arith.constant 0 : i32
    %dma_wait3A_170 = arith.constant 0 : i32
    %dma_wait3A_171 = tpu.memref_slice %arg4[%dma_wait3A_157, %dma_wait3A_169, %dma_wait3A_170] : memref<2x64x768xf32, #tpu.memory_space<vmem>> -> memref<1x64x768xf32, #tpu.memory_space<vmem>>
    %dma_wait3A_172 = tpu.memref_squeeze %dma_wait3A_171 : memref<1x64x768xf32, #tpu.memory_space<vmem>> -> memref<64x768xf32, #tpu.memory_space<vmem>>
    tpu.wait_dma2 semaphore(%arg7 : memref<!tpu.dma_semaphore, #tpu.memory_space<semaphore_mem>>) src(%dma_wait3A_172 : memref<64x768xf32, #tpu.memory_space<vmem>>) dst(%dma_wait3A_168 : memref<64x768xf32, #tpu.memory_space<hbm>>)
    %dma_wait3A_173 = arith.constant 0 : i32
    %dma_wait3A_174 = arith.constant 3 : i32
    %dma_wait3A_175 = arith.constant 0 : i32
    %dma_wait3A_176 = arith.constant 0 : i32
    %dma_wait3A_177 = tpu.memref_slice %arg4[%dma_wait3A_173, %dma_wait3A_175, %dma_wait3A_176] : memref<2x64x768xf32, #tpu.memory_space<vmem>> -> memref<1x64x768xf32, #tpu.memory_space<vmem>>
    %dma_wait3A_178 = tpu.memref_squeeze %dma_wait3A_177 : memref<1x64x768xf32, #tpu.memory_space<vmem>> -> memref<64x768xf32, #tpu.memory_space<vmem>>
    %dma_wait3A_179 = arith.constant 0 : i32
    %dma_wait3A_180 = tpu.memref_slice %arg3[%dma_wait3A_174, %add3A, %dma_wait3A_179] : memref<4x8192x768xf32, #tpu.memory_space<hbm>> -> memref<1x64x768xf32, #tpu.memory_space<hbm>>
    %dma_wait3A_181 = tpu.memref_squeeze %dma_wait3A_180 : memref<1x64x768xf32, #tpu.memory_space<hbm>> -> memref<64x768xf32, #tpu.memory_space<hbm>>
    %dma_wait3A_182 = arith.constant 0 : i32
    %dma_wait3A_183 = tpu.memref_slice %arg3[%dma_wait3A_174, %add3A, %dma_wait3A_182] : memref<4x8192x768xf32, #tpu.memory_space<hbm>> -> memref<1x64x768xf32, #tpu.memory_space<hbm>>
    %dma_wait3A_184 = tpu.memref_squeeze %dma_wait3A_183 : memref<1x64x768xf32, #tpu.memory_space<hbm>> -> memref<64x768xf32, #tpu.memory_space<hbm>>
    %dma_wait3A_185 = arith.constant 0 : i32
    %dma_wait3A_186 = arith.constant 0 : i32
    %dma_wait3A_187 = tpu.memref_slice %arg4[%dma_wait3A_173, %dma_wait3A_185, %dma_wait3A_186] : memref<2x64x768xf32, #tpu.memory_space<vmem>> -> memref<1x64x768xf32, #tpu.memory_space<vmem>>
    %dma_wait3A_188 = tpu.memref_squeeze %dma_wait3A_187 : memref<1x64x768xf32, #tpu.memory_space<vmem>> -> memref<64x768xf32, #tpu.memory_space<vmem>>
    tpu.wait_dma2 semaphore(%arg7 : memref<!tpu.dma_semaphore, #tpu.memory_space<semaphore_mem>>) src(%dma_wait3A_188 : memref<64x768xf32, #tpu.memory_space<vmem>>) dst(%dma_wait3A_184 : memref<64x768xf32, #tpu.memory_space<hbm>>)
    %add3A_189 = arith.constant 128 : i32
    %add3A_190 = arith.addi %add3A, %add3A_189 : i32
    %dma_start3A_191 = arith.constant 0 : i32
    %dma_start3A_192 = arith.constant 0 : i32
    %dma_start3A_193 = arith.constant 0 : i32
    %dma_start3A_194 = tpu.memref_slice %arg4[%dma_start3A_191, %dma_start3A_192, %dma_start3A_193] : memref<2x64x768xf32, #tpu.memory_space<vmem>> -> memref<1x64x768xf32, #tpu.memory_space<vmem>>
    %dma_start3A_195 = tpu.memref_squeeze %dma_start3A_194 : memref<1x64x768xf32, #tpu.memory_space<vmem>> -> memref<64x768xf32, #tpu.memory_space<vmem>>
    %dma_start3A_196 = arith.constant 0 : i32
    %dma_start3A_197 = tpu.memref_slice %arg2[%add3A_190, %dma_start3A_196] : memref<8192x768xf32, #tpu.memory_space<hbm>> -> memref<64x768xf32, #tpu.memory_space<hbm>>
    %dma_start3A_198 = arith.constant 0 : i32
    %dma_start3A_199 = arith.constant 0 : i32
    %dma_start3A_200 = tpu.memref_slice %arg4[%dma_start3A_191, %dma_start3A_198, %dma_start3A_199] : memref<2x64x768xf32, #tpu.memory_space<vmem>> -> memref<1x64x768xf32, #tpu.memory_space<vmem>>
    %dma_start3A_201 = tpu.memref_squeeze %dma_start3A_200 : memref<1x64x768xf32, #tpu.memory_space<vmem>> -> memref<64x768xf32, #tpu.memory_space<vmem>>
    %dma_start3A_202 = arith.constant 0 : i32
    %dma_start3A_203 = tpu.memref_slice %arg2[%add3A_190, %dma_start3A_202] : memref<8192x768xf32, #tpu.memory_space<hbm>> -> memref<64x768xf32, #tpu.memory_space<hbm>>
    tpu.enqueue_dma source(%dma_start3A_203 : memref<64x768xf32, #tpu.memory_space<hbm>>) target(%dma_start3A_201 : memref<64x768xf32, #tpu.memory_space<vmem>>) target_semaphore(%arg6 : memref<!tpu.dma_semaphore, #tpu.memory_space<semaphore_mem>>)
    %dma_wait3A_204 = arith.constant 1 : i32
    %dma_wait3A_205 = arith.constant 0 : i32
    %dma_wait3A_206 = arith.constant 0 : i32
    %dma_wait3A_207 = tpu.memref_slice %arg4[%dma_wait3A_204, %dma_wait3A_205, %dma_wait3A_206] : memref<2x64x768xf32, #tpu.memory_space<vmem>> -> memref<1x64x768xf32, #tpu.memory_space<vmem>>
    %dma_wait3A_208 = tpu.memref_squeeze %dma_wait3A_207 : memref<1x64x768xf32, #tpu.memory_space<vmem>> -> memref<64x768xf32, #tpu.memory_space<vmem>>
    %dma_wait3A_209 = arith.constant 0 : i32
    %dma_wait3A_210 = tpu.memref_slice %arg2[%add3A, %dma_wait3A_209] : memref<8192x768xf32, #tpu.memory_space<hbm>> -> memref<64x768xf32, #tpu.memory_space<hbm>>
    %dma_wait3A_211 = arith.constant 0 : i32
    %dma_wait3A_212 = arith.constant 0 : i32
    %dma_wait3A_213 = tpu.memref_slice %arg4[%dma_wait3A_204, %dma_wait3A_211, %dma_wait3A_212] : memref<2x64x768xf32, #tpu.memory_space<vmem>> -> memref<1x64x768xf32, #tpu.memory_space<vmem>>
    %dma_wait3A_214 = tpu.memref_squeeze %dma_wait3A_213 : memref<1x64x768xf32, #tpu.memory_space<vmem>> -> memref<64x768xf32, #tpu.memory_space<vmem>>
    %dma_wait3A_215 = arith.constant 0 : i32
    %dma_wait3A_216 = tpu.memref_slice %arg2[%add3A, %dma_wait3A_215] : memref<8192x768xf32, #tpu.memory_space<hbm>> -> memref<64x768xf32, #tpu.memory_space<hbm>>
    tpu.wait_dma2 semaphore(%arg6 : memref<!tpu.dma_semaphore, #tpu.memory_space<semaphore_mem>>) src(%dma_wait3A_216 : memref<64x768xf32, #tpu.memory_space<hbm>>) dst(%dma_wait3A_214 : memref<64x768xf32, #tpu.memory_space<vmem>>)
    %add3A_217 = arith.constant 64 : i32
    %add3A_218 = arith.addi %add3A, %add3A_217 : i32
    %dma_start3A_219 = arith.constant 1 : i32
    %dma_start3A_220 = arith.constant 0 : i32
    %dma_start3A_221 = arith.constant 0 : i32
    %dma_start3A_222 = arith.constant 0 : i32
    %dma_start3A_223 = tpu.memref_slice %arg4[%dma_start3A_219, %dma_start3A_221, %dma_start3A_222] : memref<2x64x768xf32, #tpu.memory_space<vmem>> -> memref<1x64x768xf32, #tpu.memory_space<vmem>>
    %dma_start3A_224 = tpu.memref_squeeze %dma_start3A_223 : memref<1x64x768xf32, #tpu.memory_space<vmem>> -> memref<64x768xf32, #tpu.memory_space<vmem>>
    %dma_start3A_225 = arith.constant 0 : i32
    %dma_start3A_226 = tpu.memref_slice %arg3[%dma_start3A_220, %add3A_218, %dma_start3A_225] : memref<4x8192x768xf32, #tpu.memory_space<hbm>> -> memref<1x64x768xf32, #tpu.memory_space<hbm>>
    %dma_start3A_227 = tpu.memref_squeeze %dma_start3A_226 : memref<1x64x768xf32, #tpu.memory_space<hbm>> -> memref<64x768xf32, #tpu.memory_space<hbm>>
    %dma_start3A_228 = arith.constant 0 : i32
    %dma_start3A_229 = tpu.memref_slice %arg3[%dma_start3A_220, %add3A_218, %dma_start3A_228] : memref<4x8192x768xf32, #tpu.memory_space<hbm>> -> memref<1x64x768xf32, #tpu.memory_space<hbm>>
    %dma_start3A_230 = tpu.memref_squeeze %dma_start3A_229 : memref<1x64x768xf32, #tpu.memory_space<hbm>> -> memref<64x768xf32, #tpu.memory_space<hbm>>
    %dma_start3A_231 = arith.constant 0 : i32
    %dma_start3A_232 = arith.constant 0 : i32
    %dma_start3A_233 = tpu.memref_slice %arg4[%dma_start3A_219, %dma_start3A_231, %dma_start3A_232] : memref<2x64x768xf32, #tpu.memory_space<vmem>> -> memref<1x64x768xf32, #tpu.memory_space<vmem>>
    %dma_start3A_234 = tpu.memref_squeeze %dma_start3A_233 : memref<1x64x768xf32, #tpu.memory_space<vmem>> -> memref<64x768xf32, #tpu.memory_space<vmem>>
    tpu.enqueue_dma source(%dma_start3A_234 : memref<64x768xf32, #tpu.memory_space<vmem>>) target(%dma_start3A_230 : memref<64x768xf32, #tpu.memory_space<hbm>>) target_semaphore(%arg7 : memref<!tpu.dma_semaphore, #tpu.memory_space<semaphore_mem>>)
    %add3A_235 = arith.constant 64 : i32
    %add3A_236 = arith.addi %add3A, %add3A_235 : i32
    %dma_start3A_237 = arith.constant 1 : i32
    %dma_start3A_238 = arith.constant 1 : i32
    %dma_start3A_239 = arith.constant 0 : i32
    %dma_start3A_240 = arith.constant 0 : i32
    %dma_start3A_241 = tpu.memref_slice %arg4[%dma_start3A_237, %dma_start3A_239, %dma_start3A_240] : memref<2x64x768xf32, #tpu.memory_space<vmem>> -> memref<1x64x768xf32, #tpu.memory_space<vmem>>
    %dma_start3A_242 = tpu.memref_squeeze %dma_start3A_241 : memref<1x64x768xf32, #tpu.memory_space<vmem>> -> memref<64x768xf32, #tpu.memory_space<vmem>>
    %dma_start3A_243 = arith.constant 0 : i32
    %dma_start3A_244 = tpu.memref_slice %arg3[%dma_start3A_238, %add3A_236, %dma_start3A_243] : memref<4x8192x768xf32, #tpu.memory_space<hbm>> -> memref<1x64x768xf32, #tpu.memory_space<hbm>>
    %dma_start3A_245 = tpu.memref_squeeze %dma_start3A_244 : memref<1x64x768xf32, #tpu.memory_space<hbm>> -> memref<64x768xf32, #tpu.memory_space<hbm>>
    %dma_start3A_246 = arith.constant 0 : i32
    %dma_start3A_247 = tpu.memref_slice %arg3[%dma_start3A_238, %add3A_236, %dma_start3A_246] : memref<4x8192x768xf32, #tpu.memory_space<hbm>> -> memref<1x64x768xf32, #tpu.memory_space<hbm>>
    %dma_start3A_248 = tpu.memref_squeeze %dma_start3A_247 : memref<1x64x768xf32, #tpu.memory_space<hbm>> -> memref<64x768xf32, #tpu.memory_space<hbm>>
    %dma_start3A_249 = arith.constant 0 : i32
    %dma_start3A_250 = arith.constant 0 : i32
    %dma_start3A_251 = tpu.memref_slice %arg4[%dma_start3A_237, %dma_start3A_249, %dma_start3A_250] : memref<2x64x768xf32, #tpu.memory_space<vmem>> -> memref<1x64x768xf32, #tpu.memory_space<vmem>>
    %dma_start3A_252 = tpu.memref_squeeze %dma_start3A_251 : memref<1x64x768xf32, #tpu.memory_space<vmem>> -> memref<64x768xf32, #tpu.memory_space<vmem>>
    tpu.enqueue_dma source(%dma_start3A_252 : memref<64x768xf32, #tpu.memory_space<vmem>>) target(%dma_start3A_248 : memref<64x768xf32, #tpu.memory_space<hbm>>) target_semaphore(%arg7 : memref<!tpu.dma_semaphore, #tpu.memory_space<semaphore_mem>>)
    %add3A_253 = arith.constant 64 : i32
    %add3A_254 = arith.addi %add3A, %add3A_253 : i32
    %dma_start3A_255 = arith.constant 1 : i32
    %dma_start3A_256 = arith.constant 2 : i32
    %dma_start3A_257 = arith.constant 0 : i32
    %dma_start3A_258 = arith.constant 0 : i32
    %dma_start3A_259 = tpu.memref_slice %arg4[%dma_start3A_255, %dma_start3A_257, %dma_start3A_258] : memref<2x64x768xf32, #tpu.memory_space<vmem>> -> memref<1x64x768xf32, #tpu.memory_space<vmem>>
    %dma_start3A_260 = tpu.memref_squeeze %dma_start3A_259 : memref<1x64x768xf32, #tpu.memory_space<vmem>> -> memref<64x768xf32, #tpu.memory_space<vmem>>
    %dma_start3A_261 = arith.constant 0 : i32
    %dma_start3A_262 = tpu.memref_slice %arg3[%dma_start3A_256, %add3A_254, %dma_start3A_261] : memref<4x8192x768xf32, #tpu.memory_space<hbm>> -> memref<1x64x768xf32, #tpu.memory_space<hbm>>
    %dma_start3A_263 = tpu.memref_squeeze %dma_start3A_262 : memref<1x64x768xf32, #tpu.memory_space<hbm>> -> memref<64x768xf32, #tpu.memory_space<hbm>>
    %dma_start3A_264 = arith.constant 0 : i32
    %dma_start3A_265 = tpu.memref_slice %arg3[%dma_start3A_256, %add3A_254, %dma_start3A_264] : memref<4x8192x768xf32, #tpu.memory_space<hbm>> -> memref<1x64x768xf32, #tpu.memory_space<hbm>>
    %dma_start3A_266 = tpu.memref_squeeze %dma_start3A_265 : memref<1x64x768xf32, #tpu.memory_space<hbm>> -> memref<64x768xf32, #tpu.memory_space<hbm>>
    %dma_start3A_267 = arith.constant 0 : i32
    %dma_start3A_268 = arith.constant 0 : i32
    %dma_start3A_269 = tpu.memref_slice %arg4[%dma_start3A_255, %dma_start3A_267, %dma_start3A_268] : memref<2x64x768xf32, #tpu.memory_space<vmem>> -> memref<1x64x768xf32, #tpu.memory_space<vmem>>
    %dma_start3A_270 = tpu.memref_squeeze %dma_start3A_269 : memref<1x64x768xf32, #tpu.memory_space<vmem>> -> memref<64x768xf32, #tpu.memory_space<vmem>>
    tpu.enqueue_dma source(%dma_start3A_270 : memref<64x768xf32, #tpu.memory_space<vmem>>) target(%dma_start3A_266 : memref<64x768xf32, #tpu.memory_space<hbm>>) target_semaphore(%arg7 : memref<!tpu.dma_semaphore, #tpu.memory_space<semaphore_mem>>)
    %add3A_271 = arith.constant 64 : i32
    %add3A_272 = arith.addi %add3A, %add3A_271 : i32
    %dma_start3A_273 = arith.constant 1 : i32
    %dma_start3A_274 = arith.constant 3 : i32
    %dma_start3A_275 = arith.constant 0 : i32
    %dma_start3A_276 = arith.constant 0 : i32
    %dma_start3A_277 = tpu.memref_slice %arg4[%dma_start3A_273, %dma_start3A_275, %dma_start3A_276] : memref<2x64x768xf32, #tpu.memory_space<vmem>> -> memref<1x64x768xf32, #tpu.memory_space<vmem>>
    %dma_start3A_278 = tpu.memref_squeeze %dma_start3A_277 : memref<1x64x768xf32, #tpu.memory_space<vmem>> -> memref<64x768xf32, #tpu.memory_space<vmem>>
    %dma_start3A_279 = arith.constant 0 : i32
    %dma_start3A_280 = tpu.memref_slice %arg3[%dma_start3A_274, %add3A_272, %dma_start3A_279] : memref<4x8192x768xf32, #tpu.memory_space<hbm>> -> memref<1x64x768xf32, #tpu.memory_space<hbm>>
    %dma_start3A_281 = tpu.memref_squeeze %dma_start3A_280 : memref<1x64x768xf32, #tpu.memory_space<hbm>> -> memref<64x768xf32, #tpu.memory_space<hbm>>
    %dma_start3A_282 = arith.constant 0 : i32
    %dma_start3A_283 = tpu.memref_slice %arg3[%dma_start3A_274, %add3A_272, %dma_start3A_282] : memref<4x8192x768xf32, #tpu.memory_space<hbm>> -> memref<1x64x768xf32, #tpu.memory_space<hbm>>
    %dma_start3A_284 = tpu.memref_squeeze %dma_start3A_283 : memref<1x64x768xf32, #tpu.memory_space<hbm>> -> memref<64x768xf32, #tpu.memory_space<hbm>>
    %dma_start3A_285 = arith.constant 0 : i32
    %dma_start3A_286 = arith.constant 0 : i32
    %dma_start3A_287 = tpu.memref_slice %arg4[%dma_start3A_273, %dma_start3A_285, %dma_start3A_286] : memref<2x64x768xf32, #tpu.memory_space<vmem>> -> memref<1x64x768xf32, #tpu.memory_space<vmem>>
    %dma_start3A_288 = tpu.memref_squeeze %dma_start3A_287 : memref<1x64x768xf32, #tpu.memory_space<vmem>> -> memref<64x768xf32, #tpu.memory_space<vmem>>
    tpu.enqueue_dma source(%dma_start3A_288 : memref<64x768xf32, #tpu.memory_space<vmem>>) target(%dma_start3A_284 : memref<64x768xf32, #tpu.memory_space<hbm>>) target_semaphore(%arg7 : memref<!tpu.dma_semaphore, #tpu.memory_space<semaphore_mem>>)
    %eq3A_289 = arith.constant 0 : i32
    %eq3A_290 = arith.cmpi eq, %arg1, %eq3A_289 : i32
    %convert_element_type3A_291 = arith.extui %eq3A_290 : i1 to i32
    %cond3A_292 = arith.constant 0 : i32
    %cond3A_293 = arith.cmpi ne, %convert_element_type3A_291, %cond3A_292 : i32
    scf.if %cond3A_293 {
      %dma_wait3A_522 = arith.constant 0 : i32
      %dma_wait3A_523 = arith.constant 0 : i32
      %dma_wait3A_524 = arith.constant 0 : i32
      %dma_wait3A_525 = tpu.memref_slice %arg3[%dma_wait3A_523, %add3A_6, %dma_wait3A_524] : memref<4x8192x768xf32, #tpu.memory_space<hbm>> -> memref<1x256x768xf32, #tpu.memory_space<hbm>>
      %dma_wait3A_526 = tpu.memref_squeeze %dma_wait3A_525 : memref<1x256x768xf32, #tpu.memory_space<hbm>> -> memref<256x768xf32, #tpu.memory_space<hbm>>
      %dma_wait3A_527 = arith.constant 0 : i32
      %dma_wait3A_528 = arith.constant 0 : i32
      %dma_wait3A_529 = tpu.memref_slice %arg5[%dma_wait3A_522, %dma_wait3A_527, %dma_wait3A_528] : memref<2x256x768xf32, #tpu.memory_space<vmem_shared>> -> memref<1x256x768xf32, #tpu.memory_space<vmem_shared>>
      %dma_wait3A_530 = tpu.memref_squeeze %dma_wait3A_529 : memref<1x256x768xf32, #tpu.memory_space<vmem_shared>> -> memref<256x768xf32, #tpu.memory_space<vmem_shared>>
      tpu.wait_dma2 semaphore(%arg9 : memref<!tpu.dma_semaphore, #tpu.memory_space<semaphore_mem>>) src(%dma_wait3A_530 : memref<256x768xf32, #tpu.memory_space<vmem_shared>>) dst(%dma_wait3A_526 : memref<256x768xf32, #tpu.memory_space<hbm>>)
      %dma_wait3A_531 = arith.constant 0 : i32
      %dma_wait3A_532 = arith.constant 1 : i32
      %dma_wait3A_533 = arith.constant 0 : i32
      %dma_wait3A_534 = tpu.memref_slice %arg3[%dma_wait3A_532, %add3A_6, %dma_wait3A_533] : memref<4x8192x768xf32, #tpu.memory_space<hbm>> -> memref<1x256x768xf32, #tpu.memory_space<hbm>>
      %dma_wait3A_535 = tpu.memref_squeeze %dma_wait3A_534 : memref<1x256x768xf32, #tpu.memory_space<hbm>> -> memref<256x768xf32, #tpu.memory_space<hbm>>
      %dma_wait3A_536 = arith.constant 0 : i32
      %dma_wait3A_537 = arith.constant 0 : i32
      %dma_wait3A_538 = tpu.memref_slice %arg5[%dma_wait3A_531, %dma_wait3A_536, %dma_wait3A_537] : memref<2x256x768xf32, #tpu.memory_space<vmem_shared>> -> memref<1x256x768xf32, #tpu.memory_space<vmem_shared>>
      %dma_wait3A_539 = tpu.memref_squeeze %dma_wait3A_538 : memref<1x256x768xf32, #tpu.memory_space<vmem_shared>> -> memref<256x768xf32, #tpu.memory_space<vmem_shared>>
      tpu.wait_dma2 semaphore(%arg9 : memref<!tpu.dma_semaphore, #tpu.memory_space<semaphore_mem>>) src(%dma_wait3A_539 : memref<256x768xf32, #tpu.memory_space<vmem_shared>>) dst(%dma_wait3A_535 : memref<256x768xf32, #tpu.memory_space<hbm>>)
      %dma_wait3A_540 = arith.constant 0 : i32
      %dma_wait3A_541 = arith.constant 2 : i32
      %dma_wait3A_542 = arith.constant 0 : i32
      %dma_wait3A_543 = tpu.memref_slice %arg3[%dma_wait3A_541, %add3A_6, %dma_wait3A_542] : memref<4x8192x768xf32, #tpu.memory_space<hbm>> -> memref<1x256x768xf32, #tpu.memory_space<hbm>>
      %dma_wait3A_544 = tpu.memref_squeeze %dma_wait3A_543 : memref<1x256x768xf32, #tpu.memory_space<hbm>> -> memref<256x768xf32, #tpu.memory_space<hbm>>
      %dma_wait3A_545 = arith.constant 0 : i32
      %dma_wait3A_546 = arith.constant 0 : i32
      %dma_wait3A_547 = tpu.memref_slice %arg5[%dma_wait3A_540, %dma_wait3A_545, %dma_wait3A_546] : memref<2x256x768xf32, #tpu.memory_space<vmem_shared>> -> memref<1x256x768xf32, #tpu.memory_space<vmem_shared>>
      %dma_wait3A_548 = tpu.memref_squeeze %dma_wait3A_547 : memref<1x256x768xf32, #tpu.memory_space<vmem_shared>> -> memref<256x768xf32, #tpu.memory_space<vmem_shared>>
      tpu.wait_dma2 semaphore(%arg9 : memref<!tpu.dma_semaphore, #tpu.memory_space<semaphore_mem>>) src(%dma_wait3A_548 : memref<256x768xf32, #tpu.memory_space<vmem_shared>>) dst(%dma_wait3A_544 : memref<256x768xf32, #tpu.memory_space<hbm>>)
      %dma_wait3A_549 = arith.constant 0 : i32
      %dma_wait3A_550 = arith.constant 3 : i32
      %dma_wait3A_551 = arith.constant 0 : i32
      %dma_wait3A_552 = tpu.memref_slice %arg3[%dma_wait3A_550, %add3A_6, %dma_wait3A_551] : memref<4x8192x768xf32, #tpu.memory_space<hbm>> -> memref<1x256x768xf32, #tpu.memory_space<hbm>>
      %dma_wait3A_553 = tpu.memref_squeeze %dma_wait3A_552 : memref<1x256x768xf32, #tpu.memory_space<hbm>> -> memref<256x768xf32, #tpu.memory_space<hbm>>
      %dma_wait3A_554 = arith.constant 0 : i32
      %dma_wait3A_555 = arith.constant 0 : i32
      %dma_wait3A_556 = tpu.memref_slice %arg5[%dma_wait3A_549, %dma_wait3A_554, %dma_wait3A_555] : memref<2x256x768xf32, #tpu.memory_space<vmem_shared>> -> memref<1x256x768xf32, #tpu.memory_space<vmem_shared>>
      %dma_wait3A_557 = tpu.memref_squeeze %dma_wait3A_556 : memref<1x256x768xf32, #tpu.memory_space<vmem_shared>> -> memref<256x768xf32, #tpu.memory_space<vmem_shared>>
      tpu.wait_dma2 semaphore(%arg9 : memref<!tpu.dma_semaphore, #tpu.memory_space<semaphore_mem>>) src(%dma_wait3A_557 : memref<256x768xf32, #tpu.memory_space<vmem_shared>>) dst(%dma_wait3A_553 : memref<256x768xf32, #tpu.memory_space<hbm>>)
      %add3A_558 = arith.constant 512 : i32
      %add3A_559 = arith.addi %add3A_6, %add3A_558 : i32
      %dma_start3A_560 = arith.constant 0 : i32
      %dma_start3A_561 = arith.constant 0 : i32
      %dma_start3A_562 = arith.constant 0 : i32
      %dma_start3A_563 = tpu.memref_slice %arg5[%dma_start3A_560, %dma_start3A_561, %dma_start3A_562] : memref<2x256x768xf32, #tpu.memory_space<vmem_shared>> -> memref<1x256x768xf32, #tpu.memory_space<vmem_shared>>
      %dma_start3A_564 = tpu.memref_squeeze %dma_start3A_563 : memref<1x256x768xf32, #tpu.memory_space<vmem_shared>> -> memref<256x768xf32, #tpu.memory_space<vmem_shared>>
      %dma_start3A_565 = arith.constant 0 : i32
      %dma_start3A_566 = tpu.memref_slice %arg2[%add3A_559, %dma_start3A_565] : memref<8192x768xf32, #tpu.memory_space<hbm>> -> memref<256x768xf32, #tpu.memory_space<hbm>>
      tpu.enqueue_dma source(%dma_start3A_566 : memref<256x768xf32, #tpu.memory_space<hbm>>) target(%dma_start3A_564 : memref<256x768xf32, #tpu.memory_space<vmem_shared>>) target_semaphore(%arg8 : memref<!tpu.dma_semaphore, #tpu.memory_space<semaphore_mem>>)
      %dma_wait3A_567 = arith.constant 1 : i32
      %dma_wait3A_568 = arith.constant 0 : i32
      %dma_wait3A_569 = arith.constant 0 : i32
      %dma_wait3A_570 = tpu.memref_slice %arg5[%dma_wait3A_567, %dma_wait3A_568, %dma_wait3A_569] : memref<2x256x768xf32, #tpu.memory_space<vmem_shared>> -> memref<1x256x768xf32, #tpu.memory_space<vmem_shared>>
      %dma_wait3A_571 = tpu.memref_squeeze %dma_wait3A_570 : memref<1x256x768xf32, #tpu.memory_space<vmem_shared>> -> memref<256x768xf32, #tpu.memory_space<vmem_shared>>
      %dma_wait3A_572 = arith.constant 0 : i32
      %dma_wait3A_573 = tpu.memref_slice %arg2[%add3A_6, %dma_wait3A_572] : memref<8192x768xf32, #tpu.memory_space<hbm>> -> memref<256x768xf32, #tpu.memory_space<hbm>>
      tpu.wait_dma2 semaphore(%arg8 : memref<!tpu.dma_semaphore, #tpu.memory_space<semaphore_mem>>) src(%dma_wait3A_573 : memref<256x768xf32, #tpu.memory_space<hbm>>) dst(%dma_wait3A_571 : memref<256x768xf32, #tpu.memory_space<vmem_shared>>)
      %add3A_574 = arith.constant 256 : i32
      %add3A_575 = arith.addi %add3A_6, %add3A_574 : i32
      %dma_start3A_576 = arith.constant 1 : i32
      %dma_start3A_577 = arith.constant 0 : i32
      %dma_start3A_578 = arith.constant 0 : i32
      %dma_start3A_579 = tpu.memref_slice %arg3[%dma_start3A_577, %add3A_575, %dma_start3A_578] : memref<4x8192x768xf32, #tpu.memory_space<hbm>> -> memref<1x256x768xf32, #tpu.memory_space<hbm>>
      %dma_start3A_580 = tpu.memref_squeeze %dma_start3A_579 : memref<1x256x768xf32, #tpu.memory_space<hbm>> -> memref<256x768xf32, #tpu.memory_space<hbm>>
      %dma_start3A_581 = arith.constant 0 : i32
      %dma_start3A_582 = arith.constant 0 : i32
      %dma_start3A_583 = tpu.memref_slice %arg5[%dma_start3A_576, %dma_start3A_581, %dma_start3A_582] : memref<2x256x768xf32, #tpu.memory_space<vmem_shared>> -> memref<1x256x768xf32, #tpu.memory_space<vmem_shared>>
      %dma_start3A_584 = tpu.memref_squeeze %dma_start3A_583 : memref<1x256x768xf32, #tpu.memory_space<vmem_shared>> -> memref<256x768xf32, #tpu.memory_space<vmem_shared>>
      tpu.enqueue_dma source(%dma_start3A_584 : memref<256x768xf32, #tpu.memory_space<vmem_shared>>) target(%dma_start3A_580 : memref<256x768xf32, #tpu.memory_space<hbm>>) target_semaphore(%arg9 : memref<!tpu.dma_semaphore, #tpu.memory_space<semaphore_mem>>)
      %add3A_585 = arith.constant 256 : i32
      %add3A_586 = arith.addi %add3A_6, %add3A_585 : i32
      %dma_start3A_587 = arith.constant 1 : i32
      %dma_start3A_588 = arith.constant 1 : i32
      %dma_start3A_589 = arith.constant 0 : i32
      %dma_start3A_590 = tpu.memref_slice %arg3[%dma_start3A_588, %add3A_586, %dma_start3A_589] : memref<4x8192x768xf32, #tpu.memory_space<hbm>> -> memref<1x256x768xf32, #tpu.memory_space<hbm>>
      %dma_start3A_591 = tpu.memref_squeeze %dma_start3A_590 : memref<1x256x768xf32, #tpu.memory_space<hbm>> -> memref<256x768xf32, #tpu.memory_space<hbm>>
      %dma_start3A_592 = arith.constant 0 : i32
      %dma_start3A_593 = arith.constant 0 : i32
      %dma_start3A_594 = tpu.memref_slice %arg5[%dma_start3A_587, %dma_start3A_592, %dma_start3A_593] : memref<2x256x768xf32, #tpu.memory_space<vmem_shared>> -> memref<1x256x768xf32, #tpu.memory_space<vmem_shared>>
      %dma_start3A_595 = tpu.memref_squeeze %dma_start3A_594 : memref<1x256x768xf32, #tpu.memory_space<vmem_shared>> -> memref<256x768xf32, #tpu.memory_space<vmem_shared>>
      tpu.enqueue_dma source(%dma_start3A_595 : memref<256x768xf32, #tpu.memory_space<vmem_shared>>) target(%dma_start3A_591 : memref<256x768xf32, #tpu.memory_space<hbm>>) target_semaphore(%arg9 : memref<!tpu.dma_semaphore, #tpu.memory_space<semaphore_mem>>)
      %add3A_596 = arith.constant 256 : i32
      %add3A_597 = arith.addi %add3A_6, %add3A_596 : i32
      %dma_start3A_598 = arith.constant 1 : i32
      %dma_start3A_599 = arith.constant 2 : i32
      %dma_start3A_600 = arith.constant 0 : i32
      %dma_start3A_601 = tpu.memref_slice %arg3[%dma_start3A_599, %add3A_597, %dma_start3A_600] : memref<4x8192x768xf32, #tpu.memory_space<hbm>> -> memref<1x256x768xf32, #tpu.memory_space<hbm>>
      %dma_start3A_602 = tpu.memref_squeeze %dma_start3A_601 : memref<1x256x768xf32, #tpu.memory_space<hbm>> -> memref<256x768xf32, #tpu.memory_space<hbm>>
      %dma_start3A_603 = arith.constant 0 : i32
      %dma_start3A_604 = arith.constant 0 : i32
      %dma_start3A_605 = tpu.memref_slice %arg5[%dma_start3A_598, %dma_start3A_603, %dma_start3A_604] : memref<2x256x768xf32, #tpu.memory_space<vmem_shared>> -> memref<1x256x768xf32, #tpu.memory_space<vmem_shared>>
      %dma_start3A_606 = tpu.memref_squeeze %dma_start3A_605 : memref<1x256x768xf32, #tpu.memory_space<vmem_shared>> -> memref<256x768xf32, #tpu.memory_space<vmem_shared>>
      tpu.enqueue_dma source(%dma_start3A_606 : memref<256x768xf32, #tpu.memory_space<vmem_shared>>) target(%dma_start3A_602 : memref<256x768xf32, #tpu.memory_space<hbm>>) target_semaphore(%arg9 : memref<!tpu.dma_semaphore, #tpu.memory_space<semaphore_mem>>)
      %add3A_607 = arith.constant 256 : i32
      %add3A_608 = arith.addi %add3A_6, %add3A_607 : i32
      %dma_start3A_609 = arith.constant 1 : i32
      %dma_start3A_610 = arith.constant 3 : i32
      %dma_start3A_611 = arith.constant 0 : i32
      %dma_start3A_612 = tpu.memref_slice %arg3[%dma_start3A_610, %add3A_608, %dma_start3A_611] : memref<4x8192x768xf32, #tpu.memory_space<hbm>> -> memref<1x256x768xf32, #tpu.memory_space<hbm>>
      %dma_start3A_613 = tpu.memref_squeeze %dma_start3A_612 : memref<1x256x768xf32, #tpu.memory_space<hbm>> -> memref<256x768xf32, #tpu.memory_space<hbm>>
      %dma_start3A_614 = arith.constant 0 : i32
      %dma_start3A_615 = arith.constant 0 : i32
      %dma_start3A_616 = tpu.memref_slice %arg5[%dma_start3A_609, %dma_start3A_614, %dma_start3A_615] : memref<2x256x768xf32, #tpu.memory_space<vmem_shared>> -> memref<1x256x768xf32, #tpu.memory_space<vmem_shared>>
      %dma_start3A_617 = tpu.memref_squeeze %dma_start3A_616 : memref<1x256x768xf32, #tpu.memory_space<vmem_shared>> -> memref<256x768xf32, #tpu.memory_space<vmem_shared>>
      tpu.enqueue_dma source(%dma_start3A_617 : memref<256x768xf32, #tpu.memory_space<vmem_shared>>) target(%dma_start3A_613 : memref<256x768xf32, #tpu.memory_space<hbm>>) target_semaphore(%arg9 : memref<!tpu.dma_semaphore, #tpu.memory_space<semaphore_mem>>)
    } else {
    }
    %dma_wait3A_294 = arith.constant 0 : i32
    %dma_wait3A_295 = arith.constant 0 : i32
    %dma_wait3A_296 = arith.constant 0 : i32
    %dma_wait3A_297 = tpu.memref_slice %arg4[%dma_wait3A_294, %dma_wait3A_295, %dma_wait3A_296] : memref<2x64x768xf32, #tpu.memory_space<vmem>> -> memref<1x64x768xf32, #tpu.memory_space<vmem>>
    %dma_wait3A_298 = tpu.memref_squeeze %dma_wait3A_297 : memref<1x64x768xf32, #tpu.memory_space<vmem>> -> memref<64x768xf32, #tpu.memory_space<vmem>>
    %dma_wait3A_299 = arith.constant 0 : i32
    %dma_wait3A_300 = tpu.memref_slice %arg2[%add3A, %dma_wait3A_299] : memref<8192x768xf32, #tpu.memory_space<hbm>> -> memref<64x768xf32, #tpu.memory_space<hbm>>
    %dma_wait3A_301 = arith.constant 0 : i32
    %dma_wait3A_302 = arith.constant 0 : i32
    %dma_wait3A_303 = tpu.memref_slice %arg4[%dma_wait3A_294, %dma_wait3A_301, %dma_wait3A_302] : memref<2x64x768xf32, #tpu.memory_space<vmem>> -> memref<1x64x768xf32, #tpu.memory_space<vmem>>
    %dma_wait3A_304 = tpu.memref_squeeze %dma_wait3A_303 : memref<1x64x768xf32, #tpu.memory_space<vmem>> -> memref<64x768xf32, #tpu.memory_space<vmem>>
    %dma_wait3A_305 = arith.constant 0 : i32
    %dma_wait3A_306 = tpu.memref_slice %arg2[%add3A, %dma_wait3A_305] : memref<8192x768xf32, #tpu.memory_space<hbm>> -> memref<64x768xf32, #tpu.memory_space<hbm>>
    tpu.wait_dma2 semaphore(%arg6 : memref<!tpu.dma_semaphore, #tpu.memory_space<semaphore_mem>>) src(%dma_wait3A_306 : memref<64x768xf32, #tpu.memory_space<hbm>>) dst(%dma_wait3A_304 : memref<64x768xf32, #tpu.memory_space<vmem>>)
    %add3A_307 = arith.constant 128 : i32
    %add3A_308 = arith.addi %add3A, %add3A_307 : i32
    %dma_start3A_309 = arith.constant 0 : i32
    %dma_start3A_310 = arith.constant 0 : i32
    %dma_start3A_311 = arith.constant 0 : i32
    %dma_start3A_312 = arith.constant 0 : i32
    %dma_start3A_313 = tpu.memref_slice %arg4[%dma_start3A_309, %dma_start3A_311, %dma_start3A_312] : memref<2x64x768xf32, #tpu.memory_space<vmem>> -> memref<1x64x768xf32, #tpu.memory_space<vmem>>
    %dma_start3A_314 = tpu.memref_squeeze %dma_start3A_313 : memref<1x64x768xf32, #tpu.memory_space<vmem>> -> memref<64x768xf32, #tpu.memory_space<vmem>>
    %dma_start3A_315 = arith.constant 0 : i32
    %dma_start3A_316 = tpu.memref_slice %arg3[%dma_start3A_310, %add3A_308, %dma_start3A_315] : memref<4x8192x768xf32, #tpu.memory_space<hbm>> -> memref<1x64x768xf32, #tpu.memory_space<hbm>>
    %dma_start3A_317 = tpu.memref_squeeze %dma_start3A_316 : memref<1x64x768xf32, #tpu.memory_space<hbm>> -> memref<64x768xf32, #tpu.memory_space<hbm>>
    %dma_start3A_318 = arith.constant 0 : i32
    %dma_start3A_319 = tpu.memref_slice %arg3[%dma_start3A_310, %add3A_308, %dma_start3A_318] : memref<4x8192x768xf32, #tpu.memory_space<hbm>> -> memref<1x64x768xf32, #tpu.memory_space<hbm>>
    %dma_start3A_320 = tpu.memref_squeeze %dma_start3A_319 : memref<1x64x768xf32, #tpu.memory_space<hbm>> -> memref<64x768xf32, #tpu.memory_space<hbm>>
    %dma_start3A_321 = arith.constant 0 : i32
    %dma_start3A_322 = arith.constant 0 : i32
    %dma_start3A_323 = tpu.memref_slice %arg4[%dma_start3A_309, %dma_start3A_321, %dma_start3A_322] : memref<2x64x768xf32, #tpu.memory_space<vmem>> -> memref<1x64x768xf32, #tpu.memory_space<vmem>>
    %dma_start3A_324 = tpu.memref_squeeze %dma_start3A_323 : memref<1x64x768xf32, #tpu.memory_space<vmem>> -> memref<64x768xf32, #tpu.memory_space<vmem>>
    tpu.enqueue_dma source(%dma_start3A_324 : memref<64x768xf32, #tpu.memory_space<vmem>>) target(%dma_start3A_320 : memref<64x768xf32, #tpu.memory_space<hbm>>) target_semaphore(%arg7 : memref<!tpu.dma_semaphore, #tpu.memory_space<semaphore_mem>>)
    %add3A_325 = arith.constant 128 : i32
    %add3A_326 = arith.addi %add3A, %add3A_325 : i32
    %dma_start3A_327 = arith.constant 0 : i32
    %dma_start3A_328 = arith.constant 1 : i32
    %dma_start3A_329 = arith.constant 0 : i32
    %dma_start3A_330 = arith.constant 0 : i32
    %dma_start3A_331 = tpu.memref_slice %arg4[%dma_start3A_327, %dma_start3A_329, %dma_start3A_330] : memref<2x64x768xf32, #tpu.memory_space<vmem>> -> memref<1x64x768xf32, #tpu.memory_space<vmem>>
    %dma_start3A_332 = tpu.memref_squeeze %dma_start3A_331 : memref<1x64x768xf32, #tpu.memory_space<vmem>> -> memref<64x768xf32, #tpu.memory_space<vmem>>
    %dma_start3A_333 = arith.constant 0 : i32
    %dma_start3A_334 = tpu.memref_slice %arg3[%dma_start3A_328, %add3A_326, %dma_start3A_333] : memref<4x8192x768xf32, #tpu.memory_space<hbm>> -> memref<1x64x768xf32, #tpu.memory_space<hbm>>
    %dma_start3A_335 = tpu.memref_squeeze %dma_start3A_334 : memref<1x64x768xf32, #tpu.memory_space<hbm>> -> memref<64x768xf32, #tpu.memory_space<hbm>>
    %dma_start3A_336 = arith.constant 0 : i32
    %dma_start3A_337 = tpu.memref_slice %arg3[%dma_start3A_328, %add3A_326, %dma_start3A_336] : memref<4x8192x768xf32, #tpu.memory_space<hbm>> -> memref<1x64x768xf32, #tpu.memory_space<hbm>>
    %dma_start3A_338 = tpu.memref_squeeze %dma_start3A_337 : memref<1x64x768xf32, #tpu.memory_space<hbm>> -> memref<64x768xf32, #tpu.memory_space<hbm>>
    %dma_start3A_339 = arith.constant 0 : i32
    %dma_start3A_340 = arith.constant 0 : i32
    %dma_start3A_341 = tpu.memref_slice %arg4[%dma_start3A_327, %dma_start3A_339, %dma_start3A_340] : memref<2x64x768xf32, #tpu.memory_space<vmem>> -> memref<1x64x768xf32, #tpu.memory_space<vmem>>
    %dma_start3A_342 = tpu.memref_squeeze %dma_start3A_341 : memref<1x64x768xf32, #tpu.memory_space<vmem>> -> memref<64x768xf32, #tpu.memory_space<vmem>>
    tpu.enqueue_dma source(%dma_start3A_342 : memref<64x768xf32, #tpu.memory_space<vmem>>) target(%dma_start3A_338 : memref<64x768xf32, #tpu.memory_space<hbm>>) target_semaphore(%arg7 : memref<!tpu.dma_semaphore, #tpu.memory_space<semaphore_mem>>)
    %add3A_343 = arith.constant 128 : i32
    %add3A_344 = arith.addi %add3A, %add3A_343 : i32
    %dma_start3A_345 = arith.constant 0 : i32
    %dma_start3A_346 = arith.constant 2 : i32
    %dma_start3A_347 = arith.constant 0 : i32
    %dma_start3A_348 = arith.constant 0 : i32
    %dma_start3A_349 = tpu.memref_slice %arg4[%dma_start3A_345, %dma_start3A_347, %dma_start3A_348] : memref<2x64x768xf32, #tpu.memory_space<vmem>> -> memref<1x64x768xf32, #tpu.memory_space<vmem>>
    %dma_start3A_350 = tpu.memref_squeeze %dma_start3A_349 : memref<1x64x768xf32, #tpu.memory_space<vmem>> -> memref<64x768xf32, #tpu.memory_space<vmem>>
    %dma_start3A_351 = arith.constant 0 : i32
    %dma_start3A_352 = tpu.memref_slice %arg3[%dma_start3A_346, %add3A_344, %dma_start3A_351] : memref<4x8192x768xf32, #tpu.memory_space<hbm>> -> memref<1x64x768xf32, #tpu.memory_space<hbm>>
    %dma_start3A_353 = tpu.memref_squeeze %dma_start3A_352 : memref<1x64x768xf32, #tpu.memory_space<hbm>> -> memref<64x768xf32, #tpu.memory_space<hbm>>
    %dma_start3A_354 = arith.constant 0 : i32
    %dma_start3A_355 = tpu.memref_slice %arg3[%dma_start3A_346, %add3A_344, %dma_start3A_354] : memref<4x8192x768xf32, #tpu.memory_space<hbm>> -> memref<1x64x768xf32, #tpu.memory_space<hbm>>
    %dma_start3A_356 = tpu.memref_squeeze %dma_start3A_355 : memref<1x64x768xf32, #tpu.memory_space<hbm>> -> memref<64x768xf32, #tpu.memory_space<hbm>>
    %dma_start3A_357 = arith.constant 0 : i32
    %dma_start3A_358 = arith.constant 0 : i32
    %dma_start3A_359 = tpu.memref_slice %arg4[%dma_start3A_345, %dma_start3A_357, %dma_start3A_358] : memref<2x64x768xf32, #tpu.memory_space<vmem>> -> memref<1x64x768xf32, #tpu.memory_space<vmem>>
    %dma_start3A_360 = tpu.memref_squeeze %dma_start3A_359 : memref<1x64x768xf32, #tpu.memory_space<vmem>> -> memref<64x768xf32, #tpu.memory_space<vmem>>
    tpu.enqueue_dma source(%dma_start3A_360 : memref<64x768xf32, #tpu.memory_space<vmem>>) target(%dma_start3A_356 : memref<64x768xf32, #tpu.memory_space<hbm>>) target_semaphore(%arg7 : memref<!tpu.dma_semaphore, #tpu.memory_space<semaphore_mem>>)
    %add3A_361 = arith.constant 128 : i32
    %add3A_362 = arith.addi %add3A, %add3A_361 : i32
    %dma_start3A_363 = arith.constant 0 : i32
    %dma_start3A_364 = arith.constant 3 : i32
    %dma_start3A_365 = arith.constant 0 : i32
    %dma_start3A_366 = arith.constant 0 : i32
    %dma_start3A_367 = tpu.memref_slice %arg4[%dma_start3A_363, %dma_start3A_365, %dma_start3A_366] : memref<2x64x768xf32, #tpu.memory_space<vmem>> -> memref<1x64x768xf32, #tpu.memory_space<vmem>>
    %dma_start3A_368 = tpu.memref_squeeze %dma_start3A_367 : memref<1x64x768xf32, #tpu.memory_space<vmem>> -> memref<64x768xf32, #tpu.memory_space<vmem>>
    %dma_start3A_369 = arith.constant 0 : i32
    %dma_start3A_370 = tpu.memref_slice %arg3[%dma_start3A_364, %add3A_362, %dma_start3A_369] : memref<4x8192x768xf32, #tpu.memory_space<hbm>> -> memref<1x64x768xf32, #tpu.memory_space<hbm>>
    %dma_start3A_371 = tpu.memref_squeeze %dma_start3A_370 : memref<1x64x768xf32, #tpu.memory_space<hbm>> -> memref<64x768xf32, #tpu.memory_space<hbm>>
    %dma_start3A_372 = arith.constant 0 : i32
    %dma_start3A_373 = tpu.memref_slice %arg3[%dma_start3A_364, %add3A_362, %dma_start3A_372] : memref<4x8192x768xf32, #tpu.memory_space<hbm>> -> memref<1x64x768xf32, #tpu.memory_space<hbm>>
    %dma_start3A_374 = tpu.memref_squeeze %dma_start3A_373 : memref<1x64x768xf32, #tpu.memory_space<hbm>> -> memref<64x768xf32, #tpu.memory_space<hbm>>
    %dma_start3A_375 = arith.constant 0 : i32
    %dma_start3A_376 = arith.constant 0 : i32
    %dma_start3A_377 = tpu.memref_slice %arg4[%dma_start3A_363, %dma_start3A_375, %dma_start3A_376] : memref<2x64x768xf32, #tpu.memory_space<vmem>> -> memref<1x64x768xf32, #tpu.memory_space<vmem>>
    %dma_start3A_378 = tpu.memref_squeeze %dma_start3A_377 : memref<1x64x768xf32, #tpu.memory_space<vmem>> -> memref<64x768xf32, #tpu.memory_space<vmem>>
    tpu.enqueue_dma source(%dma_start3A_378 : memref<64x768xf32, #tpu.memory_space<vmem>>) target(%dma_start3A_374 : memref<64x768xf32, #tpu.memory_space<hbm>>) target_semaphore(%arg7 : memref<!tpu.dma_semaphore, #tpu.memory_space<semaphore_mem>>)
    %eq3A_379 = arith.constant 0 : i32
    %eq3A_380 = arith.cmpi eq, %arg1, %eq3A_379 : i32
    %convert_element_type3A_381 = arith.extui %eq3A_380 : i1 to i32
    %cond3A_382 = arith.constant 0 : i32
    %cond3A_383 = arith.cmpi ne, %convert_element_type3A_381, %cond3A_382 : i32
    scf.if %cond3A_383 {
      %dma_wait3A_522 = arith.constant 1 : i32
      %dma_wait3A_523 = arith.constant 0 : i32
      %dma_wait3A_524 = arith.constant 0 : i32
      %dma_wait3A_525 = tpu.memref_slice %arg3[%dma_wait3A_523, %add3A_6, %dma_wait3A_524] : memref<4x8192x768xf32, #tpu.memory_space<hbm>> -> memref<1x256x768xf32, #tpu.memory_space<hbm>>
      %dma_wait3A_526 = tpu.memref_squeeze %dma_wait3A_525 : memref<1x256x768xf32, #tpu.memory_space<hbm>> -> memref<256x768xf32, #tpu.memory_space<hbm>>
      %dma_wait3A_527 = arith.constant 0 : i32
      %dma_wait3A_528 = arith.constant 0 : i32
      %dma_wait3A_529 = tpu.memref_slice %arg5[%dma_wait3A_522, %dma_wait3A_527, %dma_wait3A_528] : memref<2x256x768xf32, #tpu.memory_space<vmem_shared>> -> memref<1x256x768xf32, #tpu.memory_space<vmem_shared>>
      %dma_wait3A_530 = tpu.memref_squeeze %dma_wait3A_529 : memref<1x256x768xf32, #tpu.memory_space<vmem_shared>> -> memref<256x768xf32, #tpu.memory_space<vmem_shared>>
      tpu.wait_dma2 semaphore(%arg9 : memref<!tpu.dma_semaphore, #tpu.memory_space<semaphore_mem>>) src(%dma_wait3A_530 : memref<256x768xf32, #tpu.memory_space<vmem_shared>>) dst(%dma_wait3A_526 : memref<256x768xf32, #tpu.memory_space<hbm>>)
      %dma_wait3A_531 = arith.constant 1 : i32
      %dma_wait3A_532 = arith.constant 1 : i32
      %dma_wait3A_533 = arith.constant 0 : i32
      %dma_wait3A_534 = tpu.memref_slice %arg3[%dma_wait3A_532, %add3A_6, %dma_wait3A_533] : memref<4x8192x768xf32, #tpu.memory_space<hbm>> -> memref<1x256x768xf32, #tpu.memory_space<hbm>>
      %dma_wait3A_535 = tpu.memref_squeeze %dma_wait3A_534 : memref<1x256x768xf32, #tpu.memory_space<hbm>> -> memref<256x768xf32, #tpu.memory_space<hbm>>
      %dma_wait3A_536 = arith.constant 0 : i32
      %dma_wait3A_537 = arith.constant 0 : i32
      %dma_wait3A_538 = tpu.memref_slice %arg5[%dma_wait3A_531, %dma_wait3A_536, %dma_wait3A_537] : memref<2x256x768xf32, #tpu.memory_space<vmem_shared>> -> memref<1x256x768xf32, #tpu.memory_space<vmem_shared>>
      %dma_wait3A_539 = tpu.memref_squeeze %dma_wait3A_538 : memref<1x256x768xf32, #tpu.memory_space<vmem_shared>> -> memref<256x768xf32, #tpu.memory_space<vmem_shared>>
      tpu.wait_dma2 semaphore(%arg9 : memref<!tpu.dma_semaphore, #tpu.memory_space<semaphore_mem>>) src(%dma_wait3A_539 : memref<256x768xf32, #tpu.memory_space<vmem_shared>>) dst(%dma_wait3A_535 : memref<256x768xf32, #tpu.memory_space<hbm>>)
      %dma_wait3A_540 = arith.constant 1 : i32
      %dma_wait3A_541 = arith.constant 2 : i32
      %dma_wait3A_542 = arith.constant 0 : i32
      %dma_wait3A_543 = tpu.memref_slice %arg3[%dma_wait3A_541, %add3A_6, %dma_wait3A_542] : memref<4x8192x768xf32, #tpu.memory_space<hbm>> -> memref<1x256x768xf32, #tpu.memory_space<hbm>>
      %dma_wait3A_544 = tpu.memref_squeeze %dma_wait3A_543 : memref<1x256x768xf32, #tpu.memory_space<hbm>> -> memref<256x768xf32, #tpu.memory_space<hbm>>
      %dma_wait3A_545 = arith.constant 0 : i32
      %dma_wait3A_546 = arith.constant 0 : i32
      %dma_wait3A_547 = tpu.memref_slice %arg5[%dma_wait3A_540, %dma_wait3A_545, %dma_wait3A_546] : memref<2x256x768xf32, #tpu.memory_space<vmem_shared>> -> memref<1x256x768xf32, #tpu.memory_space<vmem_shared>>
      %dma_wait3A_548 = tpu.memref_squeeze %dma_wait3A_547 : memref<1x256x768xf32, #tpu.memory_space<vmem_shared>> -> memref<256x768xf32, #tpu.memory_space<vmem_shared>>
      tpu.wait_dma2 semaphore(%arg9 : memref<!tpu.dma_semaphore, #tpu.memory_space<semaphore_mem>>) src(%dma_wait3A_548 : memref<256x768xf32, #tpu.memory_space<vmem_shared>>) dst(%dma_wait3A_544 : memref<256x768xf32, #tpu.memory_space<hbm>>)
      %dma_wait3A_549 = arith.constant 1 : i32
      %dma_wait3A_550 = arith.constant 3 : i32
      %dma_wait3A_551 = arith.constant 0 : i32
      %dma_wait3A_552 = tpu.memref_slice %arg3[%dma_wait3A_550, %add3A_6, %dma_wait3A_551] : memref<4x8192x768xf32, #tpu.memory_space<hbm>> -> memref<1x256x768xf32, #tpu.memory_space<hbm>>
      %dma_wait3A_553 = tpu.memref_squeeze %dma_wait3A_552 : memref<1x256x768xf32, #tpu.memory_space<hbm>> -> memref<256x768xf32, #tpu.memory_space<hbm>>
      %dma_wait3A_554 = arith.constant 0 : i32
      %dma_wait3A_555 = arith.constant 0 : i32
      %dma_wait3A_556 = tpu.memref_slice %arg5[%dma_wait3A_549, %dma_wait3A_554, %dma_wait3A_555] : memref<2x256x768xf32, #tpu.memory_space<vmem_shared>> -> memref<1x256x768xf32, #tpu.memory_space<vmem_shared>>
      %dma_wait3A_557 = tpu.memref_squeeze %dma_wait3A_556 : memref<1x256x768xf32, #tpu.memory_space<vmem_shared>> -> memref<256x768xf32, #tpu.memory_space<vmem_shared>>
      tpu.wait_dma2 semaphore(%arg9 : memref<!tpu.dma_semaphore, #tpu.memory_space<semaphore_mem>>) src(%dma_wait3A_557 : memref<256x768xf32, #tpu.memory_space<vmem_shared>>) dst(%dma_wait3A_553 : memref<256x768xf32, #tpu.memory_space<hbm>>)
      %add3A_558 = arith.constant 768 : i32
      %add3A_559 = arith.addi %add3A_6, %add3A_558 : i32
      %dma_start3A_560 = arith.constant 1 : i32
      %dma_start3A_561 = arith.constant 0 : i32
      %dma_start3A_562 = arith.constant 0 : i32
      %dma_start3A_563 = tpu.memref_slice %arg5[%dma_start3A_560, %dma_start3A_561, %dma_start3A_562] : memref<2x256x768xf32, #tpu.memory_space<vmem_shared>> -> memref<1x256x768xf32, #tpu.memory_space<vmem_shared>>
      %dma_start3A_564 = tpu.memref_squeeze %dma_start3A_563 : memref<1x256x768xf32, #tpu.memory_space<vmem_shared>> -> memref<256x768xf32, #tpu.memory_space<vmem_shared>>
      %dma_start3A_565 = arith.constant 0 : i32
      %dma_start3A_566 = tpu.memref_slice %arg2[%add3A_559, %dma_start3A_565] : memref<8192x768xf32, #tpu.memory_space<hbm>> -> memref<256x768xf32, #tpu.memory_space<hbm>>
      tpu.enqueue_dma source(%dma_start3A_566 : memref<256x768xf32, #tpu.memory_space<hbm>>) target(%dma_start3A_564 : memref<256x768xf32, #tpu.memory_space<vmem_shared>>) target_semaphore(%arg8 : memref<!tpu.dma_semaphore, #tpu.memory_space<semaphore_mem>>)
      %dma_wait3A_567 = arith.constant 0 : i32
      %dma_wait3A_568 = arith.constant 0 : i32
      %dma_wait3A_569 = arith.constant 0 : i32
      %dma_wait3A_570 = tpu.memref_slice %arg5[%dma_wait3A_567, %dma_wait3A_568, %dma_wait3A_569] : memref<2x256x768xf32, #tpu.memory_space<vmem_shared>> -> memref<1x256x768xf32, #tpu.memory_space<vmem_shared>>
      %dma_wait3A_571 = tpu.memref_squeeze %dma_wait3A_570 : memref<1x256x768xf32, #tpu.memory_space<vmem_shared>> -> memref<256x768xf32, #tpu.memory_space<vmem_shared>>
      %dma_wait3A_572 = arith.constant 0 : i32
      %dma_wait3A_573 = tpu.memref_slice %arg2[%add3A_6, %dma_wait3A_572] : memref<8192x768xf32, #tpu.memory_space<hbm>> -> memref<256x768xf32, #tpu.memory_space<hbm>>
      tpu.wait_dma2 semaphore(%arg8 : memref<!tpu.dma_semaphore, #tpu.memory_space<semaphore_mem>>) src(%dma_wait3A_573 : memref<256x768xf32, #tpu.memory_space<hbm>>) dst(%dma_wait3A_571 : memref<256x768xf32, #tpu.memory_space<vmem_shared>>)
      %add3A_574 = arith.constant 512 : i32
      %add3A_575 = arith.addi %add3A_6, %add3A_574 : i32
      %dma_start3A_576 = arith.constant 0 : i32
      %dma_start3A_577 = arith.constant 0 : i32
      %dma_start3A_578 = arith.constant 0 : i32
      %dma_start3A_579 = tpu.memref_slice %arg3[%dma_start3A_577, %add3A_575, %dma_start3A_578] : memref<4x8192x768xf32, #tpu.memory_space<hbm>> -> memref<1x256x768xf32, #tpu.memory_space<hbm>>
      %dma_start3A_580 = tpu.memref_squeeze %dma_start3A_579 : memref<1x256x768xf32, #tpu.memory_space<hbm>> -> memref<256x768xf32, #tpu.memory_space<hbm>>
      %dma_start3A_581 = arith.constant 0 : i32
      %dma_start3A_582 = arith.constant 0 : i32
      %dma_start3A_583 = tpu.memref_slice %arg5[%dma_start3A_576, %dma_start3A_581, %dma_start3A_582] : memref<2x256x768xf32, #tpu.memory_space<vmem_shared>> -> memref<1x256x768xf32, #tpu.memory_space<vmem_shared>>
      %dma_start3A_584 = tpu.memref_squeeze %dma_start3A_583 : memref<1x256x768xf32, #tpu.memory_space<vmem_shared>> -> memref<256x768xf32, #tpu.memory_space<vmem_shared>>
      tpu.enqueue_dma source(%dma_start3A_584 : memref<256x768xf32, #tpu.memory_space<vmem_shared>>) target(%dma_start3A_580 : memref<256x768xf32, #tpu.memory_space<hbm>>) target_semaphore(%arg9 : memref<!tpu.dma_semaphore, #tpu.memory_space<semaphore_mem>>)
      %add3A_585 = arith.constant 512 : i32
      %add3A_586 = arith.addi %add3A_6, %add3A_585 : i32
      %dma_start3A_587 = arith.constant 0 : i32
      %dma_start3A_588 = arith.constant 1 : i32
      %dma_start3A_589 = arith.constant 0 : i32
      %dma_start3A_590 = tpu.memref_slice %arg3[%dma_start3A_588, %add3A_586, %dma_start3A_589] : memref<4x8192x768xf32, #tpu.memory_space<hbm>> -> memref<1x256x768xf32, #tpu.memory_space<hbm>>
      %dma_start3A_591 = tpu.memref_squeeze %dma_start3A_590 : memref<1x256x768xf32, #tpu.memory_space<hbm>> -> memref<256x768xf32, #tpu.memory_space<hbm>>
      %dma_start3A_592 = arith.constant 0 : i32
      %dma_start3A_593 = arith.constant 0 : i32
      %dma_start3A_594 = tpu.memref_slice %arg5[%dma_start3A_587, %dma_start3A_592, %dma_start3A_593] : memref<2x256x768xf32, #tpu.memory_space<vmem_shared>> -> memref<1x256x768xf32, #tpu.memory_space<vmem_shared>>
      %dma_start3A_595 = tpu.memref_squeeze %dma_start3A_594 : memref<1x256x768xf32, #tpu.memory_space<vmem_shared>> -> memref<256x768xf32, #tpu.memory_space<vmem_shared>>
      tpu.enqueue_dma source(%dma_start3A_595 : memref<256x768xf32, #tpu.memory_space<vmem_shared>>) target(%dma_start3A_591 : memref<256x768xf32, #tpu.memory_space<hbm>>) target_semaphore(%arg9 : memref<!tpu.dma_semaphore, #tpu.memory_space<semaphore_mem>>)
      %add3A_596 = arith.constant 512 : i32
      %add3A_597 = arith.addi %add3A_6, %add3A_596 : i32
      %dma_start3A_598 = arith.constant 0 : i32
      %dma_start3A_599 = arith.constant 2 : i32
      %dma_start3A_600 = arith.constant 0 : i32
      %dma_start3A_601 = tpu.memref_slice %arg3[%dma_start3A_599, %add3A_597, %dma_start3A_600] : memref<4x8192x768xf32, #tpu.memory_space<hbm>> -> memref<1x256x768xf32, #tpu.memory_space<hbm>>
      %dma_start3A_602 = tpu.memref_squeeze %dma_start3A_601 : memref<1x256x768xf32, #tpu.memory_space<hbm>> -> memref<256x768xf32, #tpu.memory_space<hbm>>
      %dma_start3A_603 = arith.constant 0 : i32
      %dma_start3A_604 = arith.constant 0 : i32
      %dma_start3A_605 = tpu.memref_slice %arg5[%dma_start3A_598, %dma_start3A_603, %dma_start3A_604] : memref<2x256x768xf32, #tpu.memory_space<vmem_shared>> -> memref<1x256x768xf32, #tpu.memory_space<vmem_shared>>
      %dma_start3A_606 = tpu.memref_squeeze %dma_start3A_605 : memref<1x256x768xf32, #tpu.memory_space<vmem_shared>> -> memref<256x768xf32, #tpu.memory_space<vmem_shared>>
      tpu.enqueue_dma source(%dma_start3A_606 : memref<256x768xf32, #tpu.memory_space<vmem_shared>>) target(%dma_start3A_602 : memref<256x768xf32, #tpu.memory_space<hbm>>) target_semaphore(%arg9 : memref<!tpu.dma_semaphore, #tpu.memory_space<semaphore_mem>>)
      %add3A_607 = arith.constant 512 : i32
      %add3A_608 = arith.addi %add3A_6, %add3A_607 : i32
      %dma_start3A_609 = arith.constant 0 : i32
      %dma_start3A_610 = arith.constant 3 : i32
      %dma_start3A_611 = arith.constant 0 : i32
      %dma_start3A_612 = tpu.memref_slice %arg3[%dma_start3A_610, %add3A_608, %dma_start3A_611] : memref<4x8192x768xf32, #tpu.memory_space<hbm>> -> memref<1x256x768xf32, #tpu.memory_space<hbm>>
      %dma_start3A_613 = tpu.memref_squeeze %dma_start3A_612 : memref<1x256x768xf32, #tpu.memory_space<hbm>> -> memref<256x768xf32, #tpu.memory_space<hbm>>
      %dma_start3A_614 = arith.constant 0 : i32
      %dma_start3A_615 = arith.constant 0 : i32
      %dma_start3A_616 = tpu.memref_slice %arg5[%dma_start3A_609, %dma_start3A_614, %dma_start3A_615] : memref<2x256x768xf32, #tpu.memory_space<vmem_shared>> -> memref<1x256x768xf32, #tpu.memory_space<vmem_shared>>
      %dma_start3A_617 = tpu.memref_squeeze %dma_start3A_616 : memref<1x256x768xf32, #tpu.memory_space<vmem_shared>> -> memref<256x768xf32, #tpu.memory_space<vmem_shared>>
      tpu.enqueue_dma source(%dma_start3A_617 : memref<256x768xf32, #tpu.memory_space<vmem_shared>>) target(%dma_start3A_613 : memref<256x768xf32, #tpu.memory_space<hbm>>) target_semaphore(%arg9 : memref<!tpu.dma_semaphore, #tpu.memory_space<semaphore_mem>>)
    } else {
    }
    %eq3A_384 = arith.constant 0 : i32
    %eq3A_385 = arith.cmpi eq, %arg1, %eq3A_384 : i32
    %convert_element_type3A_386 = arith.extui %eq3A_385 : i1 to i32
    %cond3A_387 = arith.constant 0 : i32
    %cond3A_388 = arith.cmpi ne, %convert_element_type3A_386, %cond3A_387 : i32
    scf.if %cond3A_388 {
      %dma_wait3A_522 = arith.constant 1 : i32
      %dma_wait3A_523 = arith.constant 0 : i32
      %dma_wait3A_524 = arith.constant 0 : i32
      %dma_wait3A_525 = tpu.memref_slice %arg5[%dma_wait3A_522, %dma_wait3A_523, %dma_wait3A_524] : memref<2x256x768xf32, #tpu.memory_space<vmem_shared>> -> memref<1x256x768xf32, #tpu.memory_space<vmem_shared>>
      %dma_wait3A_526 = tpu.memref_squeeze %dma_wait3A_525 : memref<1x256x768xf32, #tpu.memory_space<vmem_shared>> -> memref<256x768xf32, #tpu.memory_space<vmem_shared>>
      %dma_wait3A_527 = arith.constant 0 : i32
      %dma_wait3A_528 = tpu.memref_slice %arg2[%add3A_6, %dma_wait3A_527] : memref<8192x768xf32, #tpu.memory_space<hbm>> -> memref<256x768xf32, #tpu.memory_space<hbm>>
      tpu.wait_dma2 semaphore(%arg8 : memref<!tpu.dma_semaphore, #tpu.memory_space<semaphore_mem>>) src(%dma_wait3A_528 : memref<256x768xf32, #tpu.memory_space<hbm>>) dst(%dma_wait3A_526 : memref<256x768xf32, #tpu.memory_space<vmem_shared>>)
      %add3A_529 = arith.constant 768 : i32
      %add3A_530 = arith.addi %add3A_6, %add3A_529 : i32
      %dma_start3A_531 = arith.constant 1 : i32
      %dma_start3A_532 = arith.constant 0 : i32
      %dma_start3A_533 = arith.constant 0 : i32
      %dma_start3A_534 = tpu.memref_slice %arg3[%dma_start3A_532, %add3A_530, %dma_start3A_533] : memref<4x8192x768xf32, #tpu.memory_space<hbm>> -> memref<1x256x768xf32, #tpu.memory_space<hbm>>
      %dma_start3A_535 = tpu.memref_squeeze %dma_start3A_534 : memref<1x256x768xf32, #tpu.memory_space<hbm>> -> memref<256x768xf32, #tpu.memory_space<hbm>>
      %dma_start3A_536 = arith.constant 0 : i32
      %dma_start3A_537 = arith.constant 0 : i32
      %dma_start3A_538 = tpu.memref_slice %arg5[%dma_start3A_531, %dma_start3A_536, %dma_start3A_537] : memref<2x256x768xf32, #tpu.memory_space<vmem_shared>> -> memref<1x256x768xf32, #tpu.memory_space<vmem_shared>>
      %dma_start3A_539 = tpu.memref_squeeze %dma_start3A_538 : memref<1x256x768xf32, #tpu.memory_space<vmem_shared>> -> memref<256x768xf32, #tpu.memory_space<vmem_shared>>
      tpu.enqueue_dma source(%dma_start3A_539 : memref<256x768xf32, #tpu.memory_space<vmem_shared>>) target(%dma_start3A_535 : memref<256x768xf32, #tpu.memory_space<hbm>>) target_semaphore(%arg9 : memref<!tpu.dma_semaphore, #tpu.memory_space<semaphore_mem>>)
      %add3A_540 = arith.constant 768 : i32
      %add3A_541 = arith.addi %add3A_6, %add3A_540 : i32
      %dma_start3A_542 = arith.constant 1 : i32
      %dma_start3A_543 = arith.constant 1 : i32
      %dma_start3A_544 = arith.constant 0 : i32
      %dma_start3A_545 = tpu.memref_slice %arg3[%dma_start3A_543, %add3A_541, %dma_start3A_544] : memref<4x8192x768xf32, #tpu.memory_space<hbm>> -> memref<1x256x768xf32, #tpu.memory_space<hbm>>
      %dma_start3A_546 = tpu.memref_squeeze %dma_start3A_545 : memref<1x256x768xf32, #tpu.memory_space<hbm>> -> memref<256x768xf32, #tpu.memory_space<hbm>>
      %dma_start3A_547 = arith.constant 0 : i32
      %dma_start3A_548 = arith.constant 0 : i32
      %dma_start3A_549 = tpu.memref_slice %arg5[%dma_start3A_542, %dma_start3A_547, %dma_start3A_548] : memref<2x256x768xf32, #tpu.memory_space<vmem_shared>> -> memref<1x256x768xf32, #tpu.memory_space<vmem_shared>>
      %dma_start3A_550 = tpu.memref_squeeze %dma_start3A_549 : memref<1x256x768xf32, #tpu.memory_space<vmem_shared>> -> memref<256x768xf32, #tpu.memory_space<vmem_shared>>
      tpu.enqueue_dma source(%dma_start3A_550 : memref<256x768xf32, #tpu.memory_space<vmem_shared>>) target(%dma_start3A_546 : memref<256x768xf32, #tpu.memory_space<hbm>>) target_semaphore(%arg9 : memref<!tpu.dma_semaphore, #tpu.memory_space<semaphore_mem>>)
      %add3A_551 = arith.constant 768 : i32
      %add3A_552 = arith.addi %add3A_6, %add3A_551 : i32
      %dma_start3A_553 = arith.constant 1 : i32
      %dma_start3A_554 = arith.constant 2 : i32
      %dma_start3A_555 = arith.constant 0 : i32
      %dma_start3A_556 = tpu.memref_slice %arg3[%dma_start3A_554, %add3A_552, %dma_start3A_555] : memref<4x8192x768xf32, #tpu.memory_space<hbm>> -> memref<1x256x768xf32, #tpu.memory_space<hbm>>
      %dma_start3A_557 = tpu.memref_squeeze %dma_start3A_556 : memref<1x256x768xf32, #tpu.memory_space<hbm>> -> memref<256x768xf32, #tpu.memory_space<hbm>>
      %dma_start3A_558 = arith.constant 0 : i32
      %dma_start3A_559 = arith.constant 0 : i32
      %dma_start3A_560 = tpu.memref_slice %arg5[%dma_start3A_553, %dma_start3A_558, %dma_start3A_559] : memref<2x256x768xf32, #tpu.memory_space<vmem_shared>> -> memref<1x256x768xf32, #tpu.memory_space<vmem_shared>>
      %dma_start3A_561 = tpu.memref_squeeze %dma_start3A_560 : memref<1x256x768xf32, #tpu.memory_space<vmem_shared>> -> memref<256x768xf32, #tpu.memory_space<vmem_shared>>
      tpu.enqueue_dma source(%dma_start3A_561 : memref<256x768xf32, #tpu.memory_space<vmem_shared>>) target(%dma_start3A_557 : memref<256x768xf32, #tpu.memory_space<hbm>>) target_semaphore(%arg9 : memref<!tpu.dma_semaphore, #tpu.memory_space<semaphore_mem>>)
      %add3A_562 = arith.constant 768 : i32
      %add3A_563 = arith.addi %add3A_6, %add3A_562 : i32
      %dma_start3A_564 = arith.constant 1 : i32
      %dma_start3A_565 = arith.constant 3 : i32
      %dma_start3A_566 = arith.constant 0 : i32
      %dma_start3A_567 = tpu.memref_slice %arg3[%dma_start3A_565, %add3A_563, %dma_start3A_566] : memref<4x8192x768xf32, #tpu.memory_space<hbm>> -> memref<1x256x768xf32, #tpu.memory_space<hbm>>
      %dma_start3A_568 = tpu.memref_squeeze %dma_start3A_567 : memref<1x256x768xf32, #tpu.memory_space<hbm>> -> memref<256x768xf32, #tpu.memory_space<hbm>>
      %dma_start3A_569 = arith.constant 0 : i32
      %dma_start3A_570 = arith.constant 0 : i32
      %dma_start3A_571 = tpu.memref_slice %arg5[%dma_start3A_564, %dma_start3A_569, %dma_start3A_570] : memref<2x256x768xf32, #tpu.memory_space<vmem_shared>> -> memref<1x256x768xf32, #tpu.memory_space<vmem_shared>>
      %dma_start3A_572 = tpu.memref_squeeze %dma_start3A_571 : memref<1x256x768xf32, #tpu.memory_space<vmem_shared>> -> memref<256x768xf32, #tpu.memory_space<vmem_shared>>
      tpu.enqueue_dma source(%dma_start3A_572 : memref<256x768xf32, #tpu.memory_space<vmem_shared>>) target(%dma_start3A_568 : memref<256x768xf32, #tpu.memory_space<hbm>>) target_semaphore(%arg9 : memref<!tpu.dma_semaphore, #tpu.memory_space<semaphore_mem>>)
    } else {
    }
    %dma_wait3A_389 = arith.constant 1 : i32
    %dma_wait3A_390 = arith.constant 0 : i32
    %dma_wait3A_391 = arith.constant 0 : i32
    %dma_wait3A_392 = arith.constant 0 : i32
    %dma_wait3A_393 = tpu.memref_slice %arg4[%dma_wait3A_389, %dma_wait3A_391, %dma_wait3A_392] : memref<2x64x768xf32, #tpu.memory_space<vmem>> -> memref<1x64x768xf32, #tpu.memory_space<vmem>>
    %dma_wait3A_394 = tpu.memref_squeeze %dma_wait3A_393 : memref<1x64x768xf32, #tpu.memory_space<vmem>> -> memref<64x768xf32, #tpu.memory_space<vmem>>
    %dma_wait3A_395 = arith.constant 0 : i32
    %dma_wait3A_396 = tpu.memref_slice %arg3[%dma_wait3A_390, %add3A, %dma_wait3A_395] : memref<4x8192x768xf32, #tpu.memory_space<hbm>> -> memref<1x64x768xf32, #tpu.memory_space<hbm>>
    %dma_wait3A_397 = tpu.memref_squeeze %dma_wait3A_396 : memref<1x64x768xf32, #tpu.memory_space<hbm>> -> memref<64x768xf32, #tpu.memory_space<hbm>>
    %dma_wait3A_398 = arith.constant 0 : i32
    %dma_wait3A_399 = tpu.memref_slice %arg3[%dma_wait3A_390, %add3A, %dma_wait3A_398] : memref<4x8192x768xf32, #tpu.memory_space<hbm>> -> memref<1x64x768xf32, #tpu.memory_space<hbm>>
    %dma_wait3A_400 = tpu.memref_squeeze %dma_wait3A_399 : memref<1x64x768xf32, #tpu.memory_space<hbm>> -> memref<64x768xf32, #tpu.memory_space<hbm>>
    %dma_wait3A_401 = arith.constant 0 : i32
    %dma_wait3A_402 = arith.constant 0 : i32
    %dma_wait3A_403 = tpu.memref_slice %arg4[%dma_wait3A_389, %dma_wait3A_401, %dma_wait3A_402] : memref<2x64x768xf32, #tpu.memory_space<vmem>> -> memref<1x64x768xf32, #tpu.memory_space<vmem>>
    %dma_wait3A_404 = tpu.memref_squeeze %dma_wait3A_403 : memref<1x64x768xf32, #tpu.memory_space<vmem>> -> memref<64x768xf32, #tpu.memory_space<vmem>>
    tpu.wait_dma2 semaphore(%arg7 : memref<!tpu.dma_semaphore, #tpu.memory_space<semaphore_mem>>) src(%dma_wait3A_404 : memref<64x768xf32, #tpu.memory_space<vmem>>) dst(%dma_wait3A_400 : memref<64x768xf32, #tpu.memory_space<hbm>>)
    %dma_wait3A_405 = arith.constant 1 : i32
    %dma_wait3A_406 = arith.constant 1 : i32
    %dma_wait3A_407 = arith.constant 0 : i32
    %dma_wait3A_408 = arith.constant 0 : i32
    %dma_wait3A_409 = tpu.memref_slice %arg4[%dma_wait3A_405, %dma_wait3A_407, %dma_wait3A_408] : memref<2x64x768xf32, #tpu.memory_space<vmem>> -> memref<1x64x768xf32, #tpu.memory_space<vmem>>
    %dma_wait3A_410 = tpu.memref_squeeze %dma_wait3A_409 : memref<1x64x768xf32, #tpu.memory_space<vmem>> -> memref<64x768xf32, #tpu.memory_space<vmem>>
    %dma_wait3A_411 = arith.constant 0 : i32
    %dma_wait3A_412 = tpu.memref_slice %arg3[%dma_wait3A_406, %add3A, %dma_wait3A_411] : memref<4x8192x768xf32, #tpu.memory_space<hbm>> -> memref<1x64x768xf32, #tpu.memory_space<hbm>>
    %dma_wait3A_413 = tpu.memref_squeeze %dma_wait3A_412 : memref<1x64x768xf32, #tpu.memory_space<hbm>> -> memref<64x768xf32, #tpu.memory_space<hbm>>
    %dma_wait3A_414 = arith.constant 0 : i32
    %dma_wait3A_415 = tpu.memref_slice %arg3[%dma_wait3A_406, %add3A, %dma_wait3A_414] : memref<4x8192x768xf32, #tpu.memory_space<hbm>> -> memref<1x64x768xf32, #tpu.memory_space<hbm>>
    %dma_wait3A_416 = tpu.memref_squeeze %dma_wait3A_415 : memref<1x64x768xf32, #tpu.memory_space<hbm>> -> memref<64x768xf32, #tpu.memory_space<hbm>>
    %dma_wait3A_417 = arith.constant 0 : i32
    %dma_wait3A_418 = arith.constant 0 : i32
    %dma_wait3A_419 = tpu.memref_slice %arg4[%dma_wait3A_405, %dma_wait3A_417, %dma_wait3A_418] : memref<2x64x768xf32, #tpu.memory_space<vmem>> -> memref<1x64x768xf32, #tpu.memory_space<vmem>>
    %dma_wait3A_420 = tpu.memref_squeeze %dma_wait3A_419 : memref<1x64x768xf32, #tpu.memory_space<vmem>> -> memref<64x768xf32, #tpu.memory_space<vmem>>
    tpu.wait_dma2 semaphore(%arg7 : memref<!tpu.dma_semaphore, #tpu.memory_space<semaphore_mem>>) src(%dma_wait3A_420 : memref<64x768xf32, #tpu.memory_space<vmem>>) dst(%dma_wait3A_416 : memref<64x768xf32, #tpu.memory_space<hbm>>)
    %dma_wait3A_421 = arith.constant 1 : i32
    %dma_wait3A_422 = arith.constant 2 : i32
    %dma_wait3A_423 = arith.constant 0 : i32
    %dma_wait3A_424 = arith.constant 0 : i32
    %dma_wait3A_425 = tpu.memref_slice %arg4[%dma_wait3A_421, %dma_wait3A_423, %dma_wait3A_424] : memref<2x64x768xf32, #tpu.memory_space<vmem>> -> memref<1x64x768xf32, #tpu.memory_space<vmem>>
    %dma_wait3A_426 = tpu.memref_squeeze %dma_wait3A_425 : memref<1x64x768xf32, #tpu.memory_space<vmem>> -> memref<64x768xf32, #tpu.memory_space<vmem>>
    %dma_wait3A_427 = arith.constant 0 : i32
    %dma_wait3A_428 = tpu.memref_slice %arg3[%dma_wait3A_422, %add3A, %dma_wait3A_427] : memref<4x8192x768xf32, #tpu.memory_space<hbm>> -> memref<1x64x768xf32, #tpu.memory_space<hbm>>
    %dma_wait3A_429 = tpu.memref_squeeze %dma_wait3A_428 : memref<1x64x768xf32, #tpu.memory_space<hbm>> -> memref<64x768xf32, #tpu.memory_space<hbm>>
    %dma_wait3A_430 = arith.constant 0 : i32
    %dma_wait3A_431 = tpu.memref_slice %arg3[%dma_wait3A_422, %add3A, %dma_wait3A_430] : memref<4x8192x768xf32, #tpu.memory_space<hbm>> -> memref<1x64x768xf32, #tpu.memory_space<hbm>>
    %dma_wait3A_432 = tpu.memref_squeeze %dma_wait3A_431 : memref<1x64x768xf32, #tpu.memory_space<hbm>> -> memref<64x768xf32, #tpu.memory_space<hbm>>
    %dma_wait3A_433 = arith.constant 0 : i32
    %dma_wait3A_434 = arith.constant 0 : i32
    %dma_wait3A_435 = tpu.memref_slice %arg4[%dma_wait3A_421, %dma_wait3A_433, %dma_wait3A_434] : memref<2x64x768xf32, #tpu.memory_space<vmem>> -> memref<1x64x768xf32, #tpu.memory_space<vmem>>
    %dma_wait3A_436 = tpu.memref_squeeze %dma_wait3A_435 : memref<1x64x768xf32, #tpu.memory_space<vmem>> -> memref<64x768xf32, #tpu.memory_space<vmem>>
    tpu.wait_dma2 semaphore(%arg7 : memref<!tpu.dma_semaphore, #tpu.memory_space<semaphore_mem>>) src(%dma_wait3A_436 : memref<64x768xf32, #tpu.memory_space<vmem>>) dst(%dma_wait3A_432 : memref<64x768xf32, #tpu.memory_space<hbm>>)
    %dma_wait3A_437 = arith.constant 1 : i32
    %dma_wait3A_438 = arith.constant 3 : i32
    %dma_wait3A_439 = arith.constant 0 : i32
    %dma_wait3A_440 = arith.constant 0 : i32
    %dma_wait3A_441 = tpu.memref_slice %arg4[%dma_wait3A_437, %dma_wait3A_439, %dma_wait3A_440] : memref<2x64x768xf32, #tpu.memory_space<vmem>> -> memref<1x64x768xf32, #tpu.memory_space<vmem>>
    %dma_wait3A_442 = tpu.memref_squeeze %dma_wait3A_441 : memref<1x64x768xf32, #tpu.memory_space<vmem>> -> memref<64x768xf32, #tpu.memory_space<vmem>>
    %dma_wait3A_443 = arith.constant 0 : i32
    %dma_wait3A_444 = tpu.memref_slice %arg3[%dma_wait3A_438, %add3A, %dma_wait3A_443] : memref<4x8192x768xf32, #tpu.memory_space<hbm>> -> memref<1x64x768xf32, #tpu.memory_space<hbm>>
    %dma_wait3A_445 = tpu.memref_squeeze %dma_wait3A_444 : memref<1x64x768xf32, #tpu.memory_space<hbm>> -> memref<64x768xf32, #tpu.memory_space<hbm>>
    %dma_wait3A_446 = arith.constant 0 : i32
    %dma_wait3A_447 = tpu.memref_slice %arg3[%dma_wait3A_438, %add3A, %dma_wait3A_446] : memref<4x8192x768xf32, #tpu.memory_space<hbm>> -> memref<1x64x768xf32, #tpu.memory_space<hbm>>
    %dma_wait3A_448 = tpu.memref_squeeze %dma_wait3A_447 : memref<1x64x768xf32, #tpu.memory_space<hbm>> -> memref<64x768xf32, #tpu.memory_space<hbm>>
    %dma_wait3A_449 = arith.constant 0 : i32
    %dma_wait3A_450 = arith.constant 0 : i32
    %dma_wait3A_451 = tpu.memref_slice %arg4[%dma_wait3A_437, %dma_wait3A_449, %dma_wait3A_450] : memref<2x64x768xf32, #tpu.memory_space<vmem>> -> memref<1x64x768xf32, #tpu.memory_space<vmem>>
    %dma_wait3A_452 = tpu.memref_squeeze %dma_wait3A_451 : memref<1x64x768xf32, #tpu.memory_space<vmem>> -> memref<64x768xf32, #tpu.memory_space<vmem>>
    tpu.wait_dma2 semaphore(%arg7 : memref<!tpu.dma_semaphore, #tpu.memory_space<semaphore_mem>>) src(%dma_wait3A_452 : memref<64x768xf32, #tpu.memory_space<vmem>>) dst(%dma_wait3A_448 : memref<64x768xf32, #tpu.memory_space<hbm>>)
    %dma_wait3A_453 = arith.constant 0 : i32
    %dma_wait3A_454 = arith.constant 0 : i32
    %dma_wait3A_455 = arith.constant 0 : i32
    %dma_wait3A_456 = arith.constant 0 : i32
    %dma_wait3A_457 = tpu.memref_slice %arg4[%dma_wait3A_453, %dma_wait3A_455, %dma_wait3A_456] : memref<2x64x768xf32, #tpu.memory_space<vmem>> -> memref<1x64x768xf32, #tpu.memory_space<vmem>>
    %dma_wait3A_458 = tpu.memref_squeeze %dma_wait3A_457 : memref<1x64x768xf32, #tpu.memory_space<vmem>> -> memref<64x768xf32, #tpu.memory_space<vmem>>
    %dma_wait3A_459 = arith.constant 0 : i32
    %dma_wait3A_460 = tpu.memref_slice %arg3[%dma_wait3A_454, %add3A, %dma_wait3A_459] : memref<4x8192x768xf32, #tpu.memory_space<hbm>> -> memref<1x64x768xf32, #tpu.memory_space<hbm>>
    %dma_wait3A_461 = tpu.memref_squeeze %dma_wait3A_460 : memref<1x64x768xf32, #tpu.memory_space<hbm>> -> memref<64x768xf32, #tpu.memory_space<hbm>>
    %dma_wait3A_462 = arith.constant 0 : i32
    %dma_wait3A_463 = tpu.memref_slice %arg3[%dma_wait3A_454, %add3A, %dma_wait3A_462] : memref<4x8192x768xf32, #tpu.memory_space<hbm>> -> memref<1x64x768xf32, #tpu.memory_space<hbm>>
    %dma_wait3A_464 = tpu.memref_squeeze %dma_wait3A_463 : memref<1x64x768xf32, #tpu.memory_space<hbm>> -> memref<64x768xf32, #tpu.memory_space<hbm>>
    %dma_wait3A_465 = arith.constant 0 : i32
    %dma_wait3A_466 = arith.constant 0 : i32
    %dma_wait3A_467 = tpu.memref_slice %arg4[%dma_wait3A_453, %dma_wait3A_465, %dma_wait3A_466] : memref<2x64x768xf32, #tpu.memory_space<vmem>> -> memref<1x64x768xf32, #tpu.memory_space<vmem>>
    %dma_wait3A_468 = tpu.memref_squeeze %dma_wait3A_467 : memref<1x64x768xf32, #tpu.memory_space<vmem>> -> memref<64x768xf32, #tpu.memory_space<vmem>>
    tpu.wait_dma2 semaphore(%arg7 : memref<!tpu.dma_semaphore, #tpu.memory_space<semaphore_mem>>) src(%dma_wait3A_468 : memref<64x768xf32, #tpu.memory_space<vmem>>) dst(%dma_wait3A_464 : memref<64x768xf32, #tpu.memory_space<hbm>>)
    %dma_wait3A_469 = arith.constant 0 : i32
    %dma_wait3A_470 = arith.constant 1 : i32
    %dma_wait3A_471 = arith.constant 0 : i32
    %dma_wait3A_472 = arith.constant 0 : i32
    %dma_wait3A_473 = tpu.memref_slice %arg4[%dma_wait3A_469, %dma_wait3A_471, %dma_wait3A_472] : memref<2x64x768xf32, #tpu.memory_space<vmem>> -> memref<1x64x768xf32, #tpu.memory_space<vmem>>
    %dma_wait3A_474 = tpu.memref_squeeze %dma_wait3A_473 : memref<1x64x768xf32, #tpu.memory_space<vmem>> -> memref<64x768xf32, #tpu.memory_space<vmem>>
    %dma_wait3A_475 = arith.constant 0 : i32
    %dma_wait3A_476 = tpu.memref_slice %arg3[%dma_wait3A_470, %add3A, %dma_wait3A_475] : memref<4x8192x768xf32, #tpu.memory_space<hbm>> -> memref<1x64x768xf32, #tpu.memory_space<hbm>>
    %dma_wait3A_477 = tpu.memref_squeeze %dma_wait3A_476 : memref<1x64x768xf32, #tpu.memory_space<hbm>> -> memref<64x768xf32, #tpu.memory_space<hbm>>
    %dma_wait3A_478 = arith.constant 0 : i32
    %dma_wait3A_479 = tpu.memref_slice %arg3[%dma_wait3A_470, %add3A, %dma_wait3A_478] : memref<4x8192x768xf32, #tpu.memory_space<hbm>> -> memref<1x64x768xf32, #tpu.memory_space<hbm>>
    %dma_wait3A_480 = tpu.memref_squeeze %dma_wait3A_479 : memref<1x64x768xf32, #tpu.memory_space<hbm>> -> memref<64x768xf32, #tpu.memory_space<hbm>>
    %dma_wait3A_481 = arith.constant 0 : i32
    %dma_wait3A_482 = arith.constant 0 : i32
    %dma_wait3A_483 = tpu.memref_slice %arg4[%dma_wait3A_469, %dma_wait3A_481, %dma_wait3A_482] : memref<2x64x768xf32, #tpu.memory_space<vmem>> -> memref<1x64x768xf32, #tpu.memory_space<vmem>>
    %dma_wait3A_484 = tpu.memref_squeeze %dma_wait3A_483 : memref<1x64x768xf32, #tpu.memory_space<vmem>> -> memref<64x768xf32, #tpu.memory_space<vmem>>
    tpu.wait_dma2 semaphore(%arg7 : memref<!tpu.dma_semaphore, #tpu.memory_space<semaphore_mem>>) src(%dma_wait3A_484 : memref<64x768xf32, #tpu.memory_space<vmem>>) dst(%dma_wait3A_480 : memref<64x768xf32, #tpu.memory_space<hbm>>)
    %dma_wait3A_485 = arith.constant 0 : i32
    %dma_wait3A_486 = arith.constant 2 : i32
    %dma_wait3A_487 = arith.constant 0 : i32
    %dma_wait3A_488 = arith.constant 0 : i32
    %dma_wait3A_489 = tpu.memref_slice %arg4[%dma_wait3A_485, %dma_wait3A_487, %dma_wait3A_488] : memref<2x64x768xf32, #tpu.memory_space<vmem>> -> memref<1x64x768xf32, #tpu.memory_space<vmem>>
    %dma_wait3A_490 = tpu.memref_squeeze %dma_wait3A_489 : memref<1x64x768xf32, #tpu.memory_space<vmem>> -> memref<64x768xf32, #tpu.memory_space<vmem>>
    %dma_wait3A_491 = arith.constant 0 : i32
    %dma_wait3A_492 = tpu.memref_slice %arg3[%dma_wait3A_486, %add3A, %dma_wait3A_491] : memref<4x8192x768xf32, #tpu.memory_space<hbm>> -> memref<1x64x768xf32, #tpu.memory_space<hbm>>
    %dma_wait3A_493 = tpu.memref_squeeze %dma_wait3A_492 : memref<1x64x768xf32, #tpu.memory_space<hbm>> -> memref<64x768xf32, #tpu.memory_space<hbm>>
    %dma_wait3A_494 = arith.constant 0 : i32
    %dma_wait3A_495 = tpu.memref_slice %arg3[%dma_wait3A_486, %add3A, %dma_wait3A_494] : memref<4x8192x768xf32, #tpu.memory_space<hbm>> -> memref<1x64x768xf32, #tpu.memory_space<hbm>>
    %dma_wait3A_496 = tpu.memref_squeeze %dma_wait3A_495 : memref<1x64x768xf32, #tpu.memory_space<hbm>> -> memref<64x768xf32, #tpu.memory_space<hbm>>
    %dma_wait3A_497 = arith.constant 0 : i32
    %dma_wait3A_498 = arith.constant 0 : i32
    %dma_wait3A_499 = tpu.memref_slice %arg4[%dma_wait3A_485, %dma_wait3A_497, %dma_wait3A_498] : memref<2x64x768xf32, #tpu.memory_space<vmem>> -> memref<1x64x768xf32, #tpu.memory_space<vmem>>
    %dma_wait3A_500 = tpu.memref_squeeze %dma_wait3A_499 : memref<1x64x768xf32, #tpu.memory_space<vmem>> -> memref<64x768xf32, #tpu.memory_space<vmem>>
    tpu.wait_dma2 semaphore(%arg7 : memref<!tpu.dma_semaphore, #tpu.memory_space<semaphore_mem>>) src(%dma_wait3A_500 : memref<64x768xf32, #tpu.memory_space<vmem>>) dst(%dma_wait3A_496 : memref<64x768xf32, #tpu.memory_space<hbm>>)
    %dma_wait3A_501 = arith.constant 0 : i32
    %dma_wait3A_502 = arith.constant 3 : i32
    %dma_wait3A_503 = arith.constant 0 : i32
    %dma_wait3A_504 = arith.constant 0 : i32
    %dma_wait3A_505 = tpu.memref_slice %arg4[%dma_wait3A_501, %dma_wait3A_503, %dma_wait3A_504] : memref<2x64x768xf32, #tpu.memory_space<vmem>> -> memref<1x64x768xf32, #tpu.memory_space<vmem>>
    %dma_wait3A_506 = tpu.memref_squeeze %dma_wait3A_505 : memref<1x64x768xf32, #tpu.memory_space<vmem>> -> memref<64x768xf32, #tpu.memory_space<vmem>>
    %dma_wait3A_507 = arith.constant 0 : i32
    %dma_wait3A_508 = tpu.memref_slice %arg3[%dma_wait3A_502, %add3A, %dma_wait3A_507] : memref<4x8192x768xf32, #tpu.memory_space<hbm>> -> memref<1x64x768xf32, #tpu.memory_space<hbm>>
    %dma_wait3A_509 = tpu.memref_squeeze %dma_wait3A_508 : memref<1x64x768xf32, #tpu.memory_space<hbm>> -> memref<64x768xf32, #tpu.memory_space<hbm>>
    %dma_wait3A_510 = arith.constant 0 : i32
    %dma_wait3A_511 = tpu.memref_slice %arg3[%dma_wait3A_502, %add3A, %dma_wait3A_510] : memref<4x8192x768xf32, #tpu.memory_space<hbm>> -> memref<1x64x768xf32, #tpu.memory_space<hbm>>
    %dma_wait3A_512 = tpu.memref_squeeze %dma_wait3A_511 : memref<1x64x768xf32, #tpu.memory_space<hbm>> -> memref<64x768xf32, #tpu.memory_space<hbm>>
    %dma_wait3A_513 = arith.constant 0 : i32
    %dma_wait3A_514 = arith.constant 0 : i32
    %dma_wait3A_515 = tpu.memref_slice %arg4[%dma_wait3A_501, %dma_wait3A_513, %dma_wait3A_514] : memref<2x64x768xf32, #tpu.memory_space<vmem>> -> memref<1x64x768xf32, #tpu.memory_space<vmem>>
    %dma_wait3A_516 = tpu.memref_squeeze %dma_wait3A_515 : memref<1x64x768xf32, #tpu.memory_space<vmem>> -> memref<64x768xf32, #tpu.memory_space<vmem>>
    tpu.wait_dma2 semaphore(%arg7 : memref<!tpu.dma_semaphore, #tpu.memory_space<semaphore_mem>>) src(%dma_wait3A_516 : memref<64x768xf32, #tpu.memory_space<vmem>>) dst(%dma_wait3A_512 : memref<64x768xf32, #tpu.memory_space<hbm>>)
    %eq3A_517 = arith.constant 0 : i32
    %eq3A_518 = arith.cmpi eq, %arg1, %eq3A_517 : i32
    %convert_element_type3A_519 = arith.extui %eq3A_518 : i1 to i32
    %cond3A_520 = arith.constant 0 : i32
    %cond3A_521 = arith.cmpi ne, %convert_element_type3A_519, %cond3A_520 : i32
    scf.if %cond3A_521 {
      %dma_wait3A_522 = arith.constant 0 : i32
      %dma_wait3A_523 = arith.constant 0 : i32
      %dma_wait3A_524 = arith.constant 0 : i32
      %dma_wait3A_525 = tpu.memref_slice %arg3[%dma_wait3A_523, %add3A_6, %dma_wait3A_524] : memref<4x8192x768xf32, #tpu.memory_space<hbm>> -> memref<1x256x768xf32, #tpu.memory_space<hbm>>
      %dma_wait3A_526 = tpu.memref_squeeze %dma_wait3A_525 : memref<1x256x768xf32, #tpu.memory_space<hbm>> -> memref<256x768xf32, #tpu.memory_space<hbm>>
      %dma_wait3A_527 = arith.constant 0 : i32
      %dma_wait3A_528 = arith.constant 0 : i32
      %dma_wait3A_529 = tpu.memref_slice %arg5[%dma_wait3A_522, %dma_wait3A_527, %dma_wait3A_528] : memref<2x256x768xf32, #tpu.memory_space<vmem_shared>> -> memref<1x256x768xf32, #tpu.memory_space<vmem_shared>>
      %dma_wait3A_530 = tpu.memref_squeeze %dma_wait3A_529 : memref<1x256x768xf32, #tpu.memory_space<vmem_shared>> -> memref<256x768xf32, #tpu.memory_space<vmem_shared>>
      tpu.wait_dma2 semaphore(%arg9 : memref<!tpu.dma_semaphore, #tpu.memory_space<semaphore_mem>>) src(%dma_wait3A_530 : memref<256x768xf32, #tpu.memory_space<vmem_shared>>) dst(%dma_wait3A_526 : memref<256x768xf32, #tpu.memory_space<hbm>>)
      %dma_wait3A_531 = arith.constant 0 : i32
      %dma_wait3A_532 = arith.constant 1 : i32
      %dma_wait3A_533 = arith.constant 0 : i32
      %dma_wait3A_534 = tpu.memref_slice %arg3[%dma_wait3A_532, %add3A_6, %dma_wait3A_533] : memref<4x8192x768xf32, #tpu.memory_space<hbm>> -> memref<1x256x768xf32, #tpu.memory_space<hbm>>
      %dma_wait3A_535 = tpu.memref_squeeze %dma_wait3A_534 : memref<1x256x768xf32, #tpu.memory_space<hbm>> -> memref<256x768xf32, #tpu.memory_space<hbm>>
      %dma_wait3A_536 = arith.constant 0 : i32
      %dma_wait3A_537 = arith.constant 0 : i32
      %dma_wait3A_538 = tpu.memref_slice %arg5[%dma_wait3A_531, %dma_wait3A_536, %dma_wait3A_537] : memref<2x256x768xf32, #tpu.memory_space<vmem_shared>> -> memref<1x256x768xf32, #tpu.memory_space<vmem_shared>>
      %dma_wait3A_539 = tpu.memref_squeeze %dma_wait3A_538 : memref<1x256x768xf32, #tpu.memory_space<vmem_shared>> -> memref<256x768xf32, #tpu.memory_space<vmem_shared>>
      tpu.wait_dma2 semaphore(%arg9 : memref<!tpu.dma_semaphore, #tpu.memory_space<semaphore_mem>>) src(%dma_wait3A_539 : memref<256x768xf32, #tpu.memory_space<vmem_shared>>) dst(%dma_wait3A_535 : memref<256x768xf32, #tpu.memory_space<hbm>>)
      %dma_wait3A_540 = arith.constant 0 : i32
      %dma_wait3A_541 = arith.constant 2 : i32
      %dma_wait3A_542 = arith.constant 0 : i32
      %dma_wait3A_543 = tpu.memref_slice %arg3[%dma_wait3A_541, %add3A_6, %dma_wait3A_542] : memref<4x8192x768xf32, #tpu.memory_space<hbm>> -> memref<1x256x768xf32, #tpu.memory_space<hbm>>
      %dma_wait3A_544 = tpu.memref_squeeze %dma_wait3A_543 : memref<1x256x768xf32, #tpu.memory_space<hbm>> -> memref<256x768xf32, #tpu.memory_space<hbm>>
      %dma_wait3A_545 = arith.constant 0 : i32
      %dma_wait3A_546 = arith.constant 0 : i32
      %dma_wait3A_547 = tpu.memref_slice %arg5[%dma_wait3A_540, %dma_wait3A_545, %dma_wait3A_546] : memref<2x256x768xf32, #tpu.memory_space<vmem_shared>> -> memref<1x256x768xf32, #tpu.memory_space<vmem_shared>>
      %dma_wait3A_548 = tpu.memref_squeeze %dma_wait3A_547 : memref<1x256x768xf32, #tpu.memory_space<vmem_shared>> -> memref<256x768xf32, #tpu.memory_space<vmem_shared>>
      tpu.wait_dma2 semaphore(%arg9 : memref<!tpu.dma_semaphore, #tpu.memory_space<semaphore_mem>>) src(%dma_wait3A_548 : memref<256x768xf32, #tpu.memory_space<vmem_shared>>) dst(%dma_wait3A_544 : memref<256x768xf32, #tpu.memory_space<hbm>>)
      %dma_wait3A_549 = arith.constant 0 : i32
      %dma_wait3A_550 = arith.constant 3 : i32
      %dma_wait3A_551 = arith.constant 0 : i32
      %dma_wait3A_552 = tpu.memref_slice %arg3[%dma_wait3A_550, %add3A_6, %dma_wait3A_551] : memref<4x8192x768xf32, #tpu.memory_space<hbm>> -> memref<1x256x768xf32, #tpu.memory_space<hbm>>
      %dma_wait3A_553 = tpu.memref_squeeze %dma_wait3A_552 : memref<1x256x768xf32, #tpu.memory_space<hbm>> -> memref<256x768xf32, #tpu.memory_space<hbm>>
      %dma_wait3A_554 = arith.constant 0 : i32
      %dma_wait3A_555 = arith.constant 0 : i32
      %dma_wait3A_556 = tpu.memref_slice %arg5[%dma_wait3A_549, %dma_wait3A_554, %dma_wait3A_555] : memref<2x256x768xf32, #tpu.memory_space<vmem_shared>> -> memref<1x256x768xf32, #tpu.memory_space<vmem_shared>>
      %dma_wait3A_557 = tpu.memref_squeeze %dma_wait3A_556 : memref<1x256x768xf32, #tpu.memory_space<vmem_shared>> -> memref<256x768xf32, #tpu.memory_space<vmem_shared>>
      tpu.wait_dma2 semaphore(%arg9 : memref<!tpu.dma_semaphore, #tpu.memory_space<semaphore_mem>>) src(%dma_wait3A_557 : memref<256x768xf32, #tpu.memory_space<vmem_shared>>) dst(%dma_wait3A_553 : memref<256x768xf32, #tpu.memory_space<hbm>>)
      %dma_wait3A_558 = arith.constant 1 : i32
      %dma_wait3A_559 = arith.constant 0 : i32
      %dma_wait3A_560 = arith.constant 0 : i32
      %dma_wait3A_561 = tpu.memref_slice %arg3[%dma_wait3A_559, %add3A_6, %dma_wait3A_560] : memref<4x8192x768xf32, #tpu.memory_space<hbm>> -> memref<1x256x768xf32, #tpu.memory_space<hbm>>
      %dma_wait3A_562 = tpu.memref_squeeze %dma_wait3A_561 : memref<1x256x768xf32, #tpu.memory_space<hbm>> -> memref<256x768xf32, #tpu.memory_space<hbm>>
      %dma_wait3A_563 = arith.constant 0 : i32
      %dma_wait3A_564 = arith.constant 0 : i32
      %dma_wait3A_565 = tpu.memref_slice %arg5[%dma_wait3A_558, %dma_wait3A_563, %dma_wait3A_564] : memref<2x256x768xf32, #tpu.memory_space<vmem_shared>> -> memref<1x256x768xf32, #tpu.memory_space<vmem_shared>>
      %dma_wait3A_566 = tpu.memref_squeeze %dma_wait3A_565 : memref<1x256x768xf32, #tpu.memory_space<vmem_shared>> -> memref<256x768xf32, #tpu.memory_space<vmem_shared>>
      tpu.wait_dma2 semaphore(%arg9 : memref<!tpu.dma_semaphore, #tpu.memory_space<semaphore_mem>>) src(%dma_wait3A_566 : memref<256x768xf32, #tpu.memory_space<vmem_shared>>) dst(%dma_wait3A_562 : memref<256x768xf32, #tpu.memory_space<hbm>>)
      %dma_wait3A_567 = arith.constant 1 : i32
      %dma_wait3A_568 = arith.constant 1 : i32
      %dma_wait3A_569 = arith.constant 0 : i32
      %dma_wait3A_570 = tpu.memref_slice %arg3[%dma_wait3A_568, %add3A_6, %dma_wait3A_569] : memref<4x8192x768xf32, #tpu.memory_space<hbm>> -> memref<1x256x768xf32, #tpu.memory_space<hbm>>
      %dma_wait3A_571 = tpu.memref_squeeze %dma_wait3A_570 : memref<1x256x768xf32, #tpu.memory_space<hbm>> -> memref<256x768xf32, #tpu.memory_space<hbm>>
      %dma_wait3A_572 = arith.constant 0 : i32
      %dma_wait3A_573 = arith.constant 0 : i32
      %dma_wait3A_574 = tpu.memref_slice %arg5[%dma_wait3A_567, %dma_wait3A_572, %dma_wait3A_573] : memref<2x256x768xf32, #tpu.memory_space<vmem_shared>> -> memref<1x256x768xf32, #tpu.memory_space<vmem_shared>>
      %dma_wait3A_575 = tpu.memref_squeeze %dma_wait3A_574 : memref<1x256x768xf32, #tpu.memory_space<vmem_shared>> -> memref<256x768xf32, #tpu.memory_space<vmem_shared>>
      tpu.wait_dma2 semaphore(%arg9 : memref<!tpu.dma_semaphore, #tpu.memory_space<semaphore_mem>>) src(%dma_wait3A_575 : memref<256x768xf32, #tpu.memory_space<vmem_shared>>) dst(%dma_wait3A_571 : memref<256x768xf32, #tpu.memory_space<hbm>>)
      %dma_wait3A_576 = arith.constant 1 : i32
      %dma_wait3A_577 = arith.constant 2 : i32
      %dma_wait3A_578 = arith.constant 0 : i32
      %dma_wait3A_579 = tpu.memref_slice %arg3[%dma_wait3A_577, %add3A_6, %dma_wait3A_578] : memref<4x8192x768xf32, #tpu.memory_space<hbm>> -> memref<1x256x768xf32, #tpu.memory_space<hbm>>
      %dma_wait3A_580 = tpu.memref_squeeze %dma_wait3A_579 : memref<1x256x768xf32, #tpu.memory_space<hbm>> -> memref<256x768xf32, #tpu.memory_space<hbm>>
      %dma_wait3A_581 = arith.constant 0 : i32
      %dma_wait3A_582 = arith.constant 0 : i32
      %dma_wait3A_583 = tpu.memref_slice %arg5[%dma_wait3A_576, %dma_wait3A_581, %dma_wait3A_582] : memref<2x256x768xf32, #tpu.memory_space<vmem_shared>> -> memref<1x256x768xf32, #tpu.memory_space<vmem_shared>>
      %dma_wait3A_584 = tpu.memref_squeeze %dma_wait3A_583 : memref<1x256x768xf32, #tpu.memory_space<vmem_shared>> -> memref<256x768xf32, #tpu.memory_space<vmem_shared>>
      tpu.wait_dma2 semaphore(%arg9 : memref<!tpu.dma_semaphore, #tpu.memory_space<semaphore_mem>>) src(%dma_wait3A_584 : memref<256x768xf32, #tpu.memory_space<vmem_shared>>) dst(%dma_wait3A_580 : memref<256x768xf32, #tpu.memory_space<hbm>>)
      %dma_wait3A_585 = arith.constant 1 : i32
      %dma_wait3A_586 = arith.constant 3 : i32
      %dma_wait3A_587 = arith.constant 0 : i32
      %dma_wait3A_588 = tpu.memref_slice %arg3[%dma_wait3A_586, %add3A_6, %dma_wait3A_587] : memref<4x8192x768xf32, #tpu.memory_space<hbm>> -> memref<1x256x768xf32, #tpu.memory_space<hbm>>
      %dma_wait3A_589 = tpu.memref_squeeze %dma_wait3A_588 : memref<1x256x768xf32, #tpu.memory_space<hbm>> -> memref<256x768xf32, #tpu.memory_space<hbm>>
      %dma_wait3A_590 = arith.constant 0 : i32
      %dma_wait3A_591 = arith.constant 0 : i32
      %dma_wait3A_592 = tpu.memref_slice %arg5[%dma_wait3A_585, %dma_wait3A_590, %dma_wait3A_591] : memref<2x256x768xf32, #tpu.memory_space<vmem_shared>> -> memref<1x256x768xf32, #tpu.memory_space<vmem_shared>>
      %dma_wait3A_593 = tpu.memref_squeeze %dma_wait3A_592 : memref<1x256x768xf32, #tpu.memory_space<vmem_shared>> -> memref<256x768xf32, #tpu.memory_space<vmem_shared>>
      tpu.wait_dma2 semaphore(%arg9 : memref<!tpu.dma_semaphore, #tpu.memory_space<semaphore_mem>>) src(%dma_wait3A_593 : memref<256x768xf32, #tpu.memory_space<vmem_shared>>) dst(%dma_wait3A_589 : memref<256x768xf32, #tpu.memory_space<hbm>>)
    } else {
    }
    return
  }
}

</mosaic_0001>

<sc_bundles>
// kernel: kernel.3.cloned.1.call-start
scs
__scs_entry_jumppad:
0x0: {  	(pc) =	sbr.rel $0x88, $3  }
0x1: {  	(tag) =	ssettag $0x0;
	lr =	simm.s32 $0x1  }
0x2: {  	[smem:$0x3FA0] =	sst lr;
	_ =	strace $0xD0000000  }
0x3: {  	_ = 	snop  }
0x4: {  	_ = 	snop  }
0x5: {  	_ = 	snop  }
0x6: {  	_ = 	snop  }
0x7: {  	_ = 	snop  }
__scs_overlays_trampoline_lowered:
0x8: {  	[smem:$0x3FAF] =	sst s0  }
0x9: {  	[smem:$0x3FB0] =	sst s1  }
0xa: {  	[smem:$0x3FB1] =	sst s2  }
0xb: {  	[smem:$0x3FB2] =	sst s3  }
0xc: {  	[smem:$0x3FB3] =	sst s4  }
0xd: {  	[smem:$0x3FB4] =	sst s5  }
0xe: {  	[smem:$0x3FB5] =	sst s6  }
0xf: {  	[smem:$0x3FB6] =	sst s7  }
0x10: {  	[smem:$0x3FB7] =	sst s8  }
0x11: {  	[smem:$0x3FB8] =	sst s9;
	s0 =	simm.s32 @!p0 $0x0  }
0x12: {  	s1 =	sld [smem:$0x3F9E];
	s0 =	simm.s32 @p0 $0x1  }
0x13: {  	[smem:$0x3FB9] =	sst s0;
	s0 =	simm.s32 @!p1 $0x0  }
0x14: {  	s2 =	sld [smem:$0x3F9D];
	s0 =	simm.s32 @p1 $0x1  }
0x15: {  	[smem:$0x3FBA] =	sst s0;
	s0 =	simm.s32 @!p2 $0x0  }
0x16: {  	s3 =	sld [smem:$0x3FDB];
	s0 =	simm.s32 @p2 $0x1  }
0x17: {  	s4 =	simm.s32 $0x1BF5;
	[smem:$0x3FBC] =	sst s0  }
0x18: {  	s0 =	sld [smem:$0x3F9F];
	_ =	swait.ge [sflag:s4], $0x0  }
0x19: {  	s7 =	sld [smem:$0x3FA0]  }
0x1a: {  	s8 =	sadd.s32 $0xFFFFE003, lr  }
0x1b: {  	s9 =	sadd.s32 $0xFFFFFEF7, lr;
	s5 =	simm.s32 $0xFFFFFFFF;
	p2 =	slt.u32 s8, $0xFFFFF086  }
0x1c: {  	p1 =	slt.u32 s9, $0xF7A;
	s5 =	simm.s32 @!p2 $0x0  }
0x1d: {  	s5 =	simm.s32 @p1 $0x1;
	p0 =	seq.s32 s7, s2  }
0x1e: {  	s7 =	smul.u32 @!p0 $0xF7A, s2;
	p2 =	seq.s32 @!p0 s5, $0x0  }
0x1f: {  	s9 =	smul.u32 $0xF7A, s1;
	s8 =	simm.s32 @!p0 $0x1BF5;
	p2 =	por !p2, p0  }
0x20: {  	[sflag:s8] =	ssyncset.s32 @!p0 $0xFFFFF086;
	s6 =	sadd.s32 @!p0 s3, s7;
	s7 =	simm.s32 @!p0 $0x108  }
0x21: {  	s3 =	sadd.s32 s3, s9;
	s6 =	sadd.s32 @!p0 $0x88, s6;
	s7 =	simm.s32 @p2 $0x1082  }
0x22: {  	[simem:s7], [sflag:s8] =	dma.local @!p0 [hbm:s6], $0xF7A  }
0x23: {  	s9 =	sor.u32 $0xD0000000, s2;
	s6 =	simm.s32 $0x108;
	_ =	swait.ge @!p0 [sflag:s8], $0x0  }
0x24: {  	s3 =	sadd.s32 $0x88, s3;
	s6 =	simm.s32 @!p1 $0x1082;
	[sflag:s4] =	ssyncset.s32 $0xFFFFF086  }
0x25: {  	[simem:s6], [sflag:s4] =	dma.local [hbm:s3], $0xF7A  }
0x26: {  	[smem:$0x3FA0] =	sst s1;
	(tag) =	ssettag s2;
	_ =	strace s9  }
0x27: {  	s1 =	sld [smem:$0x3FB0]  }
0x28: {  	s2 =	sld [smem:$0x3FB1]  }
0x29: {  	s4 =	sld [smem:$0x3FB3]  }
0x2a: {  	p0 =	seq.s32 s5, $0x0;
	s5 =	sld [smem:$0x3FB4]  }
0x2b: {  	s6 =	sld [smem:$0x3FB5]  }
0x2c: {  	s7 =	sld [smem:$0x3FB6]  }
0x2d: {  	s3 =	simm.s32 $0x108;
	s8 =	sld [smem:$0x3FB7]  }
0x2e: {  	s3 =	simm.s32 @!p0 $0x1082;
	s9 =	sld [smem:$0x3FB8]  }
0x2f: {  	lr =	sadd.s32 s0, s3;
	s0 =	sld [smem:$0x3FAF]  }
0x30: {  	s3 =	sld [smem:$0x3FB2]  }
0x31: {  	[smem:$0x3FBB] =	sst s10  }
0x32: {  	s10 =	sld [smem:$0x3FB9];
	_ =	sdelay $0x3  }
0x33: {  	p0 =	seq.s32 s10, $0x1;
	s10 =	sld [smem:$0x3FBB];
	_ =	sdelay $0x3  }
0x34: {  	[smem:$0x3FBB] =	sst s10  }
0x35: {  	s10 =	sld [smem:$0x3FBA];
	_ =	sdelay $0x3  }
0x36: {  	p1 =	seq.s32 s10, $0x1;
	s10 =	sld [smem:$0x3FBB];
	_ =	sdelay $0x3  }
0x37: {  	[smem:$0x3FBB] =	sst s10  }
0x38: {  	s10 =	sld [smem:$0x3FBC]  }
0x39: {  	_ = 	snop;
	(pc) =	sbr.ind lr, $3  }
0x3a: {  	_ = 	snop  }
0x3b: {  	_ = 	snop  }
0x3c: {  	p2 =	seq.s32 s10, $0x1;
	s10 =	sld [smem:$0x3FBB]  }
0x3d: {  	_ =	shalt  }
0x3e: {  	_ =	shalt  }
0x3f: {  	_ =	shalt  }
0x40: {  	_ =	shalt  }
0x41: {  	_ =	shalt  }
0x42: {  	_ =	shalt  }
0x43: {  	_ =	shalt  }
0x44: {  	_ =	shalt  }
0x45: {  	_ =	shalt  }
0x46: {  	_ =	shalt  }
0x47: {  	_ =	shalt  }
0x48: {  	_ =	shalt  }
0x49: {  	_ =	shalt  }
0x4a: {  	_ =	shalt  }
0x4b: {  	_ =	shalt  }
0x4c: {  	_ =	shalt  }
0x4d: {  	_ =	shalt  }
0x4e: {  	_ =	shalt  }
0x4f: {  	_ =	shalt  }
0x50: {  	_ =	shalt  }
0x51: {  	_ =	shalt  }
0x52: {  	_ =	shalt  }
0x53: {  	_ =	shalt  }
0x54: {  	_ =	shalt  }
0x55: {  	_ =	shalt  }
0x56: {  	_ =	shalt  }
0x57: {  	_ =	shalt  }
0x58: {  	_ =	shalt  }
0x59: {  	_ =	shalt  }
0x5a: {  	_ =	shalt  }
0x5b: {  	_ =	shalt  }
0x5c: {  	_ =	shalt  }
0x5d: {  	_ =	shalt  }
0x5e: {  	_ =	shalt  }
0x5f: {  	_ =	shalt  }
0x60: {  	_ =	shalt  }
0x61: {  	_ =	shalt  }
0x62: {  	_ =	shalt  }
0x63: {  	_ =	shalt  }
0x64: {  	_ =	shalt  }
0x65: {  	_ =	shalt  }
0x66: {  	_ =	shalt  }
0x67: {  	_ =	shalt  }
0x68: {  	_ =	shalt  }
0x69: {  	_ =	shalt  }
0x6a: {  	_ =	shalt  }
0x6b: {  	_ =	shalt  }
0x6c: {  	_ =	shalt  }
0x6d: {  	_ =	shalt  }
0x6e: {  	_ =	shalt  }
0x6f: {  	_ =	shalt  }
0x70: {  	_ =	shalt  }
0x71: {  	_ =	shalt  }
0x72: {  	_ =	shalt  }
0x73: {  	_ =	shalt  }
0x74: {  	_ =	shalt  }
0x75: {  	_ =	shalt  }
0x76: {  	_ =	shalt  }
0x77: {  	_ =	shalt  }
0x78: {  	_ =	shalt  }
0x79: {  	_ =	shalt  }
0x7a: {  	_ =	shalt  }
0x7b: {  	_ =	shalt  }
0x7c: {  	_ =	shalt  }
0x7d: {  	_ =	shalt  }
0x7e: {  	_ =	shalt  }
0x7f: {  	_ =	shalt  }
0x80: {  	_ =	shalt  }
0x81: {  	_ =	shalt  }
0x82: {  	_ =	shalt  }
0x83: {  	_ =	shalt  }
0x84: {  	_ =	shalt  }
0x85: {  	_ =	shalt  }
0x86: {  	_ =	shalt  }
0x87: {  	_ =	shalt  }
.Lfunc_end0:
.L_simem_size_0:
called_computation_lowered:
.L_overlay_start_0:
0x88: {  	s2 =	sld [smem:$0x3FD9]  }
0x89: {  	s3 =	sld [smem:$0x3FFE];
	_ =	sdelay $0x1  }
0x8a: {  	s1 =	srdreg.scid  }
0x8b: {  	s0 =	sand.u32 $0x1, s1  }
0x8c: {  	s18 =	sshll.u32 s0, $0xA;
	s2 =	sadd.s32 s3, s2  }
0x8d: {  	s2 =	sadd.s32 s2, s18  }
0x8e: {  	[smem:$0x3FC7] =	sst s2  }
0x8f: {  	_ = 	snop  }
0x90: {  	s2 =	sld [smem:$0x3FC9]  }
0x91: {  	s19 =	sld [smem:$0x3FD0];
	(tm) =	ssettm $0x1  }
0x92: {  	s4 =	sld [smem:$0x3FFB];
	_ =	sdelay $0x3  }
0x93: {  	_ =	strace s4  }
0x94: {  	s4 =	sld [smem:$0x3FFC];
	_ =	sdelay $0x3  }
0x95: {  	_ =	strace s4  }
0x96: {  	s4 =	sld [smem:$0x3FFD];
	_ =	sdelay $0x3  }
0x97: {  	_ =	strace s4  }
0x98: {  	_ =	strace $0x8FFFFFFF  }
0x99: {  	s20 =	sld [smem:$0x3FDB];
	_ =	sdelay $0x1  }
0x9a: {  	s5 =	simm.s32 $_scs_section_size  }
0x9b: {  	s6 =	simm.s32 $_size__tile_overlayer_lowered;
	s7 =	simm.s32 $_tile_overlayer_lowered  }
0x9c: {  	s23 =	simm.s32 $0x1BFF;
	s22 =	sshll.u32 s7, $0x1;
	s4 =	sadd.s32 s5, s20  }
0x9d: {  	s8 =	simm.s32 $0x0;
	s21 =	sshll.u32 s6, $0x1;
	s6 =	sadd.s32 s22, s4  }
0x9e: {  	[timem:s8], [sflag:s23] =	dma.local [hbm:s6], s21  }
0x9f: {  	_ =	swait.ge [sflag:s23], s21  }
0xa0: {  	s5 =	ssub.s32 $0x0, s21;
	[sflag:s23] =	ssyncset.done $0x0  }
0xa1: {  	[sflag:s23] =	ssyncadd.s32 s5;
	_ =	sdelay $0x1  }
0xa2: {  	s24 =	simm.s32 $0x1B8B  }
0xa3: {  	_ =	swait.ge [sflag:s24], $0x1  }
0xa4: {  	[sflag:s24] =	ssyncset.done $0x0  }
0xa5: {  	s25 =	simm.s32 $0x1B8E;
	[sflag:s24] =	ssyncadd.s32 $0xFFFFFFFF  }
0xa6: {  	s26 =	simm.s32 $execute0_lowered;
	[smem:$0x3FD2] =	sst s25  }
0xa7: {  	s5 =	sshll.u32 s26, $0x1;
	_ =	strace $0x80000046;
	[dreg:$0x1] =	wrdreg $0xFFFFFFFF  }
0xa8: {  	s28 =	simm.s32 $_size_execute0_lowered;
	s4 =	sadd.s32 s4, s5;
	[dreg:$0x0] =	wrdreg $0x0  }
0xa9: {  	s5 =	sshll.u32 s28, $0x1;
	[dreg:$0x2] =	wrdreg s4  }
0xaa: {  	[dreg:$0x3] =	wrdreg s5  }
0xab: {  	[dreg:$0x4] =	wrdreg $0xC0  }
0xac: {  	_ =	task [dreg:s8], $0x5FFFF  }
0xad: {  	[dreg:$0x1] =	wrdreg $0xFFFFFFFF  }
0xae: {  	[dreg:$0x0] =	wrdreg $0x60  }
0xaf: {  	[dreg:$0x2] =	wrdreg s2  }
0xb0: {  	[dreg:$0x3] =	wrdreg s19  }
0xb1: {  	[dreg:$0x4] =	wrdreg $0x180000  }
0xb2: {  	[dreg:$0x5] =	wrdreg $0x9  }
0xb3: {  	_ =	task.clear_ibuf [dreg:s8], $0x6FFFF;
	_ =	strace $0x90000046  }
0xb4: {  	s29 =	simm.s32 $0x9;
	_ =	strace $0x80000048  }
0xb5: {  	_ =	swait.ge [sflag:s29], $0x1  }
0xb6: {  	[sflag:s29] =	ssyncadd.s32 $0xFFFFFFFF  }
0xb7: {  	_ =	strace $0x90000048  }
0xb8: {  	_ =	sfence  }
0xb9: {  	s30 =	sld [smem:$0x0];
	_ =	sdelay $0x2  }
0xba: {  	s31 =	sshll.u32 s1, $0xD;
	s1 =	sshrl.u32 s1, $0x2  }
0xbb: {  	s3 =	sand.u32 $0x4000, s31;
	s1 =	sadd.s32 s1, s30  }
0xbc: {  	s0 =	sor.u32 s3, s0;
	s1 =	sshll.u32 s1, $0x11  }
0xbd: {  	s0 =	sor.u32 s1, s0  }
0xbe: {  	s0 =	sadd.s32 $0x8F2B, s0  }
0xbf: {  	[sflag:s0] =	ssyncadd.remote.s32 $0x1  }
0xc0: {  	_ =	sfence.sel $0xFFFF  }
0xc1: {  	[dreg:$0x0] =	wrdreg $0xFFFFFFFF;
	(pc) =	sbr.abs _section_cstart, $3  }
0xc2: {  	[dreg:$0x1] =	wrdreg $0xFFFFFFFF  }
0xc3: {  	_ =	task.clear_ibuf [dreg:s8], $0x2FFFF;
	_ =	strace $0x9FFFFFFF  }
0xc4: {  	(tm) =	ssettm $0x7FFFFFFF  }
0xc5: {  	_ =	shalt  }
tec
execute0_lowered:
.L_overlay_start_1:
0x0: {  	(tag) =	ssettag $0x1  }
0x1: {  	s4 =	rddreg [dreg:$0x0]  }
0x2: {  	s0 =	srdreg.scid;
	s3 =	rddreg [dreg:$0x1]  }
0x3: {  	s2 =	stileid.u32;
	s13 =	rddreg [dreg:$0x2]  }
0x4: {  	s31 =	rddreg [dreg:$0x3];
	p1 =	por $0x0, $0x0;
	s5 =	sand.u32 $0x1, s0  }
0x5: {  	s1 =	smul.u32 $0xC0, s2;
	s24 =	sadd.s32 $0x30000, s13;
	p0 =	sne.s32 s2, $0x0  }
0x6: {  	s2 =	simm.s32 $0x2;
	s6 =	sshll.u32 s5, $0xC;
	s7 =	sshll.u32 s5, $0x9  }
0x7: {  	s22 =	smul.u32 $0x300000, s5;
	s5 =	ssub.s32 $0x2, s5;
	s7 =	sor.u32 $0x180, s7  }
0x8: {  	s13 =	sshrl.u32 @!p0 s13, $0x3;
	s6 =	sor.u32 s1, s6;
	s8 =	smul.u32 $0x300, s7  }
0x9: {  	s1 =	simm.s32 $0x0;
	s6 =	sshrl.u32 s6, $0x3;
	s7 =	smul.u32 $0x1800, s7  }
0xa: {  	s14 =	sshrl.u32 s5, $0x1;
	[smem:$0x7FF] =	sst s1;
	s6 =	smul.u32 $0x1800, s6  }
0xb: {  	_ =	strace $0x80000047;
	[dreg:$0xa] =	wrdreg s24;
	s8 =	sadd.s32 s4, s8  }
0xc: {  	s7 =	sshrl.u32 s7, $0x3;
	s9 =	sshrl.u32 s6, $0x3;
	s10 =	sadd.s32 $0xC000, s6  }
0xd: {  	[dreg:$0x4] =	wrdreg s8;
	s8 =	sshrl.u32 s22, $0x3;
	s12 =	sadd.s32 s3, s7  }
0xe: {  	s6 =	sadd.s32 $0x18000, s6;
	s18 =	sadd.s32 s4, s9;
	[dreg:$0x15] =	wrdreg s12  }
0xf: {  	s10 =	sshrl.u32 s10, $0x3;
	s7 =	sadd.s32 $0xC0000, s12;
	[dreg:$0x5] =	wrdreg s18  }
0x10: {  	s0 =	sadd.s32 s3, s9;
	s26 =	sadd.s32 $0x180000, s12;
	[dreg:$0xc] =	wrdreg s7  }
0x11: {  	s11 =	sadd.s32 $0x4E000, s8;
	s28 =	sadd.s32 $0x240000, s12;
	[dreg:$0xd] =	wrdreg s26  }
0x12: {  	s6 =	sshrl.u32 s6, $0x3;
	s19 =	sadd.s32 s4, s10;
	[dreg:$0xe] =	wrdreg s28  }
0x13: {  	s17 =	sadd.s32 $0x54000, s8;
	s20 =	sadd.s32 $0xC0000, s0;
	[dreg:$0x6] =	wrdreg s19  }
0x14: {  	s24 =	sadd.s32 s8, s3;
	s21 =	sadd.s32 $0x180000, s0;
	[dreg:$0x7] =	wrdreg s20  }
0x15: {  	s23 =	sadd.s32 $0x240000, s0;
	s25 =	sadd.s32 s4, s11;
	[dreg:$0x8] =	wrdreg s21  }
0x16: {  	s9 =	sadd.s32 s4, s6;
	s10 =	sadd.s32 s3, s10;
	[dreg:$0x9] =	wrdreg s23  }
0x17: {  	s6 =	sadd.s32 s3, s6;
	s26 =	sadd.s32 $0x5A000, s8;
	[dreg:$0xb] =	wrdreg s25  }
0x18: {  	s7 =	sadd.s32 $0x1DA000, s24;
	s8 =	sadd.s32 $0x29A000, s24;
	[dreg:$0xf] =	wrdreg s9  }
0x19: {  	s12 =	sadd.s32 $0xC0000, s10;
	s15 =	sadd.s32 $0x180000, s10;
	[dreg:$0x17] =	wrdreg s10  }
0x1a: {  	s16 =	sadd.s32 $0x240000, s10;
	s9 =	ssub.s32 s5, s14;
	[dreg:$0x18] =	wrdreg s6  }
0x1b: {  	s19 =	sadd.s32 s4, s17;
	s20 =	sadd.s32 s3, s11;
	[dreg:$0x10] =	wrdreg s12  }
0x1c: {  	s21 =	sadd.s32 $0x10E000, s24;
	s23 =	sadd.s32 $0x28E000, s24;
	[dreg:$0x11] =	wrdreg s15  }
0x1d: {  	s22 =	sadd.s32 $0xC0000, s6;
	[dreg:$0x12] =	wrdreg s16;
	s28 =	smax.u32 s9, $0x1  }
0x1e: {  	s25 =	sadd.s32 $0x180000, s6;
	[dreg:$0x13] =	wrdreg s19;
	s30 =	sadd.s32 $0xFFFFFFFF, s28  }
0x1f: {  	s18 =	sadd.s32 $0x240000, s6;
	[dreg:$0x14] =	wrdreg s20;
	p2 =	sne.s32 s30, $0x0  }
.Ltmp0:
0x20: {  	s10 =	sadd.s32 $0x114000, s24;
	[dreg:$0x16] =	wrdreg s21;
	(pc) =	sbr.rel @!p2 .LBB2_5-.Ltmp0, $4  }
0x21: {  	s11 =	sadd.s32 $0x1D4000, s24;
	s6 =	sadd.s32 $0x11A000, s24;
	[dreg:$0x19] =	wrdreg s22  }
0x22: {  	s20 =	sadd.s32 $0x1CE000, s24;
	[dreg:$0x1a] =	wrdreg s25;
	s25 =	sadd.s32 s4, s26  }
0x23: {  	s4 =	smov.u32 s0;
	s16 =	sadd.s32 s3, s17;
	s12 =	sadd.s32 $0x294000, s24  }
0x24: {  	s17 =	sadd.s32 s3, s26;
	s3 =	simm.s32 $0xC000;
	s24 =	simm.s32 $0x1  }
0x25: {  	s26 =	rddreg [dreg:$0x4];
	s5 =	simm.s32 @!p0 $0x1C03  }
0x26: {  	[spmem:s13], [sflag:s5] =	dma.local @!p0 [hbm:s26], $0x6000  }
0x27: {  	s26 =	rddreg [dreg:$0x5]  }
0x28: {  	[tilespmem:s1], [sflag:$0x1] =	stream.linear.gather [hbm4b:s26+s1], $0xC000, $0x38;
	[tilespmem:$0x1E000] =	vst v63  }
0x29: {  	s28 =	rddreg [dreg:$0x6]  }
0x2a: {  	[tilespmem:s3], [sflag:$0x1] =	stream.linear.gather [hbm4b:s28+s1], $0xC000, $0x38;
	[tilespmem:$0x1E000] =	vst v63  }
0x2b: {  	_ =	swait.ge [sflag:s24], $0xC000  }
0x2c: {  	s22 =	rddreg [dreg:$0x8];
	[sflag:s24] =	ssyncset.done $0x0  }
0x2d: {  	s31 =	rddreg [dreg:$0x7];
	[sflag:s24] =	ssyncadd.s32 $0xFFFF4000  }
0x2e: {  	[hbm4b:s4+s1] =	stream.linear.scatter [tilespmem:s1], [sflag:$0x2], $0xC000, $0x38;
	[tilespmem:$0x1E000] =	vst v63  }
0x2f: {  	s29 =	rddreg [dreg:$0xa]  }
0x30: {  	[hbm4b:s31+s1] =	stream.linear.scatter [tilespmem:s1], [sflag:$0x2], $0xC000, $0x38;
	[tilespmem:$0x1E000] =	vst v63  }
0x31: {  	s0 =	rddreg [dreg:$0xb]  }
0x32: {  	[hbm4b:s22+s1] =	stream.linear.scatter [tilespmem:s1], [sflag:$0x2], $0xC000, $0x38;
	[tilespmem:$0x1E000] =	vst v63  }
0x33: {  	s26 =	simm.s32 @!p0 $0x3;
	s9 =	rddreg [dreg:$0x9];
	s31 =	sshrl.u32 @!p0 s29, $0x3  }
0x34: {  	[hbm4b:s9+s1] =	stream.linear.scatter [tilespmem:s1], [sflag:$0x2], $0xC000, $0x38;
	[tilespmem:$0x1E000] =	vst v63  }
0x35: {  	[spmem:s31], [sflag:s5] =	dma.local @!p0 [hbm:s0], $0x6000  }
0x36: {  	_ =	swait.ge @!p0 [sflag:s26], $0x6000  }
0x37: {  	[sflag:s26] =	ssyncset.done @!p0 $0x0  }
0x38: {  	s9 =	simm.s32 @!p0 $0x1C04;
	s0 =	rddreg [dreg:$0x15];
	[sflag:s26] =	ssyncadd.s32 @!p0 $0xFFFFA000  }
0x39: {  	[hbm:s0], [sflag:s9] =	dma.local @!p0 [spmem:s13], $0x6000  }
0x3a: {  	s0 =	rddreg [dreg:$0xc]  }
0x3b: {  	[hbm:s0], [sflag:s9] =	dma.local @!p0 [spmem:s13], $0x6000  }
0x3c: {  	s0 =	rddreg [dreg:$0xd]  }
0x3d: {  	[hbm:s0], [sflag:s9] =	dma.local @!p0 [spmem:s13], $0x6000  }
0x3e: {  	s0 =	rddreg [dreg:$0xe]  }
0x3f: {  	[hbm:s0], [sflag:s9] =	dma.local @!p0 [spmem:s13], $0x6000  }
0x40: {  	_ =	swait.ge [sflag:s2], $0xC000  }
0x41: {  	[sflag:s2] =	ssyncset.done $0x0  }
0x42: {  	[sflag:s2] =	ssyncadd.s32 $0xFFFF4000  }
0x43: {  	_ =	swait.ge [sflag:s2], $0xC000  }
0x44: {  	[sflag:s2] =	ssyncset.done $0x0  }
0x45: {  	[sflag:s2] =	ssyncadd.s32 $0xFFFF4000  }
0x46: {  	_ =	swait.ge [sflag:s2], $0xC000  }
0x47: {  	[sflag:s2] =	ssyncset.done $0x0  }
0x48: {  	[sflag:s2] =	ssyncadd.s32 $0xFFFF4000  }
0x49: {  	_ =	swait.ge [sflag:s2], $0xC000  }
0x4a: {  	[sflag:s2] =	ssyncset.done $0x0  }
0x4b: {  	s14 =	rddreg [dreg:$0xf];
	[sflag:s2] =	ssyncadd.s32 $0xFFFF4000  }
0x4c: {  	[tilespmem:s1], [sflag:$0x1] =	stream.linear.gather [hbm4b:s14+s1], $0xC000, $0x38;
	[tilespmem:$0x1E000] =	vst v63  }
0x4d: {  	_ =	swait.ge [sflag:s24], $0xC000  }
0x4e: {  	[sflag:s24] =	ssyncset.done $0x0  }
0x4f: {  	s14 =	rddreg [dreg:$0x17];
	[sflag:s24] =	ssyncadd.s32 $0xFFFF4000  }
0x50: {  	[hbm4b:s14+s1] =	stream.linear.scatter [tilespmem:s3], [sflag:$0x2], $0xC000, $0x38;
	[tilespmem:$0x1E000] =	vst v63  }
0x51: {  	s15 =	rddreg [dreg:$0x10]  }
0x52: {  	[hbm4b:s15+s1] =	stream.linear.scatter [tilespmem:s3], [sflag:$0x2], $0xC000, $0x38;
	[tilespmem:$0x1E000] =	vst v63  }
0x53: {  	s29 =	rddreg [dreg:$0x11]  }
0x54: {  	[hbm4b:s29+s1] =	stream.linear.scatter [tilespmem:s3], [sflag:$0x2], $0xC000, $0x38;
	[tilespmem:$0x1E000] =	vst v63  }
0x55: {  	s19 =	rddreg [dreg:$0x12];
	s29 =	simm.s32 @!p0 $0x4  }
0x56: {  	[hbm4b:s19+s1] =	stream.linear.scatter [tilespmem:s3], [sflag:$0x2], $0xC000, $0x38;
	[tilespmem:$0x1E000] =	vst v63  }
0x57: {  	_ =	swait.ge @!p0 [sflag:s29], $0x6000  }
0x58: {  	[sflag:s29] =	ssyncset.done @!p0 $0x0  }
0x59: {  	[sflag:s29] =	ssyncadd.s32 @!p0 $0xFFFFA000  }
0x5a: {  	_ =	swait.ge @!p0 [sflag:s29], $0x6000  }
0x5b: {  	[sflag:s29] =	ssyncset.done @!p0 $0x0  }
0x5c: {  	[sflag:s29] =	ssyncadd.s32 @!p0 $0xFFFFA000  }
0x5d: {  	_ =	swait.ge @!p0 [sflag:s29], $0x6000  }
0x5e: {  	[sflag:s29] =	ssyncset.done @!p0 $0x0  }
0x5f: {  	[sflag:s29] =	ssyncadd.s32 @!p0 $0xFFFFA000  }
0x60: {  	_ =	swait.ge @!p0 [sflag:s29], $0x6000  }
0x61: {  	[sflag:s29] =	ssyncset.done @!p0 $0x0  }
0x62: {  	s0 =	rddreg [dreg:$0x13];
	[sflag:s29] =	ssyncadd.s32 @!p0 $0xFFFFA000  }
0x63: {  	[spmem:s13], [sflag:s5] =	dma.local @!p0 [hbm:s0], $0x6000  }
0x64: {  	_ =	swait.ge @!p0 [sflag:s26], $0x6000  }
0x65: {  	[sflag:s26] =	ssyncset.done @!p0 $0x0  }
0x66: {  	s0 =	rddreg [dreg:$0x14];
	[sflag:s26] =	ssyncadd.s32 @!p0 $0xFFFFA000  }
0x67: {  	[hbm:s0], [sflag:s9] =	dma.local @!p0 [spmem:s31], $0x6000  }
0x68: {  	s0 =	rddreg [dreg:$0x16]  }
0x69: {  	[hbm:s0], [sflag:s9] =	dma.local @!p0 [spmem:s31], $0x6000  }
0x6a: {  	[hbm:s20], [sflag:s9] =	dma.local @!p0 [spmem:s31], $0x6000  }
0x6b: {  	[hbm:s23], [sflag:s9] =	dma.local @!p0 [spmem:s31], $0x6000  }
0x6c: {  	_ =	swait.ge [sflag:s24], $0xC000  }
0x6d: {  	[sflag:s24] =	ssyncset.done $0x0  }
0x6e: {  	s21 =	rddreg [dreg:$0x18];
	[sflag:s24] =	ssyncadd.s32 $0xFFFF4000  }
0x6f: {  	[hbm4b:s21+s1] =	stream.linear.scatter [tilespmem:s1], [sflag:$0x2], $0xC000, $0x38;
	[tilespmem:$0x1E000] =	vst v63  }
0x70: {  	s22 =	rddreg [dreg:$0x19]  }
0x71: {  	[hbm4b:s22+s1] =	stream.linear.scatter [tilespmem:s1], [sflag:$0x2], $0xC000, $0x38;
	[tilespmem:$0x1E000] =	vst v63  }
0x72: {  	s28 =	rddreg [dreg:$0x1a]  }
0x73: {  	[hbm4b:s28+s1] =	stream.linear.scatter [tilespmem:s1], [sflag:$0x2], $0xC000, $0x38;
	[tilespmem:$0x1E000] =	vst v63  }
0x74: {  	_ = 	snop  }
0x75: {  	[hbm4b:s18+s1] =	stream.linear.scatter [tilespmem:s1], [sflag:$0x2], $0xC000, $0x38;
	[tilespmem:$0x1E000] =	vst v63  }
0x76: {  	_ =	swait.ge @!p0 [sflag:s29], $0x6000  }
0x77: {  	[sflag:s29] =	ssyncset.done @!p0 $0x0  }
0x78: {  	[sflag:s29] =	ssyncadd.s32 @!p0 $0xFFFFA000  }
0x79: {  	_ =	swait.ge @!p0 [sflag:s29], $0x6000  }
0x7a: {  	[sflag:s29] =	ssyncset.done @!p0 $0x0  }
0x7b: {  	[sflag:s29] =	ssyncadd.s32 @!p0 $0xFFFFA000  }
0x7c: {  	_ =	swait.ge @!p0 [sflag:s29], $0x6000  }
0x7d: {  	[sflag:s29] =	ssyncset.done @!p0 $0x0  }
0x7e: {  	[sflag:s29] =	ssyncadd.s32 @!p0 $0xFFFFA000  }
0x7f: {  	_ =	swait.ge @!p0 [sflag:s29], $0x6000  }
0x80: {  	[sflag:s29] =	ssyncset.done @!p0 $0x0  }
0x81: {  	[sflag:s29] =	ssyncadd.s32 @!p0 $0xFFFFA000  }
0x82: {  	[spmem:s31], [sflag:s5] =	dma.local @!p0 [hbm:s25], $0x6000  }
0x83: {  	_ =	swait.ge @!p0 [sflag:s26], $0x6000  }
0x84: {  	[sflag:s26] =	ssyncset.done @!p0 $0x0  }
0x85: {  	[sflag:s26] =	ssyncadd.s32 @!p0 $0xFFFFA000  }
0x86: {  	[hbm:s16], [sflag:s9] =	dma.local @!p0 [spmem:s13], $0x6000  }
0x87: {  	[hbm:s10], [sflag:s9] =	dma.local @!p0 [spmem:s13], $0x6000  }
0x88: {  	[hbm:s11], [sflag:s9] =	dma.local @!p0 [spmem:s13], $0x6000  }
0x89: {  	[hbm:s12], [sflag:s9] =	dma.local @!p0 [spmem:s13], $0x6000  }
0x8a: {  	_ =	swait.ge @!p0 [sflag:s26], $0x6000  }
0x8b: {  	[sflag:s26] =	ssyncset.done @!p0 $0x0  }
0x8c: {  	[sflag:s26] =	ssyncadd.s32 @!p0 $0xFFFFA000  }
0x8d: {  	[hbm:s17], [sflag:s9] =	dma.local @!p0 [spmem:s31], $0x6000  }
0x8e: {  	[hbm:s6], [sflag:s9] =	dma.local @!p0 [spmem:s31], $0x6000  }
0x8f: {  	[hbm:s7], [sflag:s9] =	dma.local @!p0 [spmem:s31], $0x6000  }
0x90: {  	[hbm:s8], [sflag:s9] =	dma.local @!p0 [spmem:s31], $0x6000  }
0x91: {  	_ =	swait.ge [sflag:s2], $0xC000  }
0x92: {  	[sflag:s2] =	ssyncset.done $0x0  }
0x93: {  	[sflag:s2] =	ssyncadd.s32 $0xFFFF4000  }
0x94: {  	_ =	swait.ge [sflag:s2], $0xC000  }
0x95: {  	[sflag:s2] =	ssyncset.done $0x0  }
0x96: {  	[sflag:s2] =	ssyncadd.s32 $0xFFFF4000  }
0x97: {  	_ =	swait.ge [sflag:s2], $0xC000  }
0x98: {  	[sflag:s2] =	ssyncset.done $0x0  }
0x99: {  	[sflag:s2] =	ssyncadd.s32 $0xFFFF4000  }
0x9a: {  	_ =	swait.ge [sflag:s2], $0xC000  }
0x9b: {  	[sflag:s2] =	ssyncset.done $0x0  }
0x9c: {  	[sflag:s2] =	ssyncadd.s32 $0xFFFF4000  }
0x9d: {  	_ =	swait.ge [sflag:s2], $0xC000  }
0x9e: {  	[sflag:s2] =	ssyncset.done $0x0  }
0x9f: {  	[sflag:s2] =	ssyncadd.s32 $0xFFFF4000  }
0xa0: {  	_ =	swait.ge [sflag:s2], $0xC000  }
0xa1: {  	[sflag:s2] =	ssyncset.done $0x0  }
0xa2: {  	[sflag:s2] =	ssyncadd.s32 $0xFFFF4000  }
0xa3: {  	_ =	swait.ge [sflag:s2], $0xC000  }
0xa4: {  	[sflag:s2] =	ssyncset.done $0x0  }
0xa5: {  	[sflag:s2] =	ssyncadd.s32 $0xFFFF4000  }
0xa6: {  	_ =	swait.ge [sflag:s2], $0xC000  }
0xa7: {  	[sflag:s2] =	ssyncset.done $0x0  }
0xa8: {  	[sflag:s2] =	ssyncadd.s32 $0xFFFF4000  }
0xa9: {  	_ =	swait.ge @!p0 [sflag:s29], $0x6000  }
0xaa: {  	[sflag:s29] =	ssyncset.done @!p0 $0x0  }
0xab: {  	[sflag:s29] =	ssyncadd.s32 @!p0 $0xFFFFA000  }
0xac: {  	_ =	swait.ge @!p0 [sflag:s29], $0x6000  }
0xad: {  	[sflag:s29] =	ssyncset.done @!p0 $0x0  }
0xae: {  	[sflag:s29] =	ssyncadd.s32 @!p0 $0xFFFFA000  }
0xaf: {  	_ =	swait.ge @!p0 [sflag:s29], $0x6000  }
0xb0: {  	[sflag:s29] =	ssyncset.done @!p0 $0x0  }
0xb1: {  	[sflag:s29] =	ssyncadd.s32 @!p0 $0xFFFFA000  }
0xb2: {  	_ =	swait.ge @!p0 [sflag:s29], $0x6000  }
0xb3: {  	[sflag:s29] =	ssyncset.done @!p0 $0x0  }
0xb4: {  	[sflag:s29] =	ssyncadd.s32 @!p0 $0xFFFFA000  }
0xb5: {  	_ =	swait.ge @!p0 [sflag:s29], $0x6000  }
0xb6: {  	[sflag:s29] =	ssyncset.done @!p0 $0x0  }
0xb7: {  	[sflag:s29] =	ssyncadd.s32 @!p0 $0xFFFFA000  }
0xb8: {  	s30 =	sadd.s32 $0xFFFFFFFF, s30;
	_ =	swait.ge @!p0 [sflag:s29], $0x6000  }
0xb9: {  	p2 =	sne.s32 s30, $0x0;
	[sflag:s29] =	ssyncset.done @!p0 $0x0  }
.Ltmp1:
0xba: {  	[sflag:s29] =	ssyncadd.s32 @!p0 $0xFFFFA000;
	(pc) =	sbr.rel @!p2 .LBB2_6-.Ltmp1, $4  }
0xbb: {  	_ =	swait.ge @!p0 [sflag:s29], $0x6000  }
0xbc: {  	[sflag:s29] =	ssyncset.done @!p0 $0x0  }
0xbd: {  	[sflag:s29] =	ssyncadd.s32 @!p0 $0xFFFFA000  }
0xbe: {  	p1 =	por $0x1, $0x1;
	_ =	swait.ge @!p0 [sflag:s29], $0x6000  }
0xbf: {  	s28 =	simm.s32 $0xC000  }
.LBB2_3:
0xc0: {  	[sflag:s29] =	ssyncset.done @!p0 $0x0  }
0xc1: {  	s0 =	rddreg [dreg:$0x4];
	s5 =	simm.s32 @!p0 $0x1C03;
	[sflag:s29] =	ssyncadd.s32 @!p0 $0xFFFFA000  }
0xc2: {  	[spmem:s13], [sflag:s5] =	dma.local @!p0 [hbm:s0], $0x6000  }
0xc3: {  	s0 =	rddreg [dreg:$0x5]  }
0xc4: {  	[tilespmem:s1], [sflag:$0x1] =	stream.linear.gather [hbm4b:s0+s1], $0xC000, $0x38;
	[tilespmem:$0x1E000] =	vst v63  }
0xc5: {  	s31 =	rddreg [dreg:$0x6]  }
0xc6: {  	[tilespmem:s3], [sflag:$0x1] =	stream.linear.gather [hbm4b:s31+s1], $0xC000, $0x38;
	[tilespmem:$0x1E000] =	vst v63  }
0xc7: {  	_ =	swait.ge [sflag:s24], $0xC000  }
0xc8: {  	s15 =	rddreg [dreg:$0x8]  }
0xc9: {  	s22 =	smov.u32 s20;
	s14 =	smov.u32 s12;
	s19 =	rddreg [dreg:$0x7]  }
0xca: {  	s12 =	smov.u32 s11;
	s11 =	smov.u32 s10;
	s3 =	rddreg [dreg:$0xa]  }
0xcb: {  	s9 =	smov.u32 s8;
	s8 =	smov.u32 s7;
	s20 =	rddreg [dreg:$0x9]  }
0xcc: {  	s7 =	smov.u32 s6;
	s10 =	smov.u32 s16;
	s16 =	rddreg [dreg:$0x18]  }
0xcd: {  	s6 =	smov.u32 s17;
	[sflag:s24] =	ssyncset.done $0x0;
	s17 =	rddreg [dreg:$0x19]  }
0xce: {  	s0 =	rddreg [dreg:$0x15];
	[sflag:s24] =	ssyncadd.s32 $0xFFFF4000  }
0xcf: {  	[hbm4b:s4+s1] =	stream.linear.scatter [tilespmem:s1], [sflag:$0x2], $0xC000, $0x38;
	[tilespmem:$0x1E000] =	vst v63  }
0xd0: {  	s26 =	simm.s32 $0x0;
	s24 =	smov.u32 s4;
	s4 =	rddreg [dreg:$0xb]  }
0xd1: {  	[hbm4b:s19+s26] =	stream.linear.scatter [tilespmem:s26], [sflag:$0x2], $0xC000, $0x38;
	[tilespmem:$0x1E000] =	vst v63  }
0xd2: {  	s19 =	smov.u32 s18;
	s18 =	rddreg [dreg:$0x1a]  }
0xd3: {  	[hbm4b:s15+s26] =	stream.linear.scatter [tilespmem:s26], [sflag:$0x2], $0xC000, $0x38;
	[tilespmem:$0x1E000] =	vst v63  }
0xd4: {  	s15 =	smov.u32 s25;
	s25 =	rddreg [dreg:$0x17]  }
0xd5: {  	[hbm4b:s20+s26] =	stream.linear.scatter [tilespmem:s26], [sflag:$0x2], $0xC000, $0x38;
	[tilespmem:$0x1E000] =	vst v63  }
0xd6: {  	s21 =	simm.s32 @!p0 $0x1C03;
	s31 =	sshrl.u32 @!p0 s3, $0x3;
	s20 =	rddreg [dreg:$0x16]  }
0xd7: {  	[spmem:s31], [sflag:s21] =	dma.local @!p0 [hbm:s4], $0x6000  }
0xd8: {  	s21 =	simm.s32 @!p0 $0x3  }
0xd9: {  	_ =	swait.ge @!p0 [sflag:s21], $0x6000  }
0xda: {  	[sflag:s21] =	ssyncset.done @!p0 $0x0  }
0xdb: {  	s5 =	simm.s32 @!p0 $0x1C04;
	[sflag:s21] =	ssyncadd.s32 @!p0 $0xFFFFA000  }
0xdc: {  	[hbm:s0], [sflag:s5] =	dma.local @!p0 [spmem:s13], $0x6000  }
0xdd: {  	s0 =	rddreg [dreg:$0xc]  }
0xde: {  	[hbm:s0], [sflag:s5] =	dma.local @!p0 [spmem:s13], $0x6000  }
0xdf: {  	s0 =	rddreg [dreg:$0xd]  }
0xe0: {  	[hbm:s0], [sflag:s5] =	dma.local @!p0 [spmem:s13], $0x6000  }
0xe1: {  	s0 =	rddreg [dreg:$0xe]  }
0xe2: {  	[hbm:s0], [sflag:s5] =	dma.local @!p0 [spmem:s13], $0x6000  }
0xe3: {  	_ =	swait.ge [sflag:s2], $0xC000  }
0xe4: {  	[sflag:s2] =	ssyncset.done $0x0  }
0xe5: {  	[sflag:s2] =	ssyncadd.s32 $0xFFFF4000  }
0xe6: {  	_ =	swait.ge [sflag:s2], $0xC000  }
0xe7: {  	[sflag:s2] =	ssyncset.done $0x0  }
0xe8: {  	[sflag:s2] =	ssyncadd.s32 $0xFFFF4000  }
0xe9: {  	_ =	swait.ge [sflag:s2], $0xC000  }
0xea: {  	[sflag:s2] =	ssyncset.done $0x0  }
0xeb: {  	[sflag:s2] =	ssyncadd.s32 $0xFFFF4000  }
0xec: {  	_ =	swait.ge [sflag:s2], $0xC000  }
0xed: {  	[sflag:s2] =	ssyncset.done $0x0  }
0xee: {  	s1 =	simm.s32 $0x1;
	s4 =	rddreg [dreg:$0xf];
	[sflag:s2] =	ssyncadd.s32 $0xFFFF4000  }
0xef: {  	[tilespmem:s26], [sflag:$0x1] =	stream.linear.gather [hbm4b:s4+s26], $0xC000, $0x38;
	[tilespmem:$0x1E000] =	vst v63  }
0xf0: {  	_ =	swait.ge [sflag:s1], $0xC000  }
0xf1: {  	[sflag:s1] =	ssyncset.done $0x0  }
0xf2: {  	[sflag:s1] =	ssyncadd.s32 $0xFFFF4000;
	s1 =	simm.s32 $0x0  }
0xf3: {  	[hbm4b:s25+s1] =	stream.linear.scatter [tilespmem:s28], [sflag:$0x2], $0xC000, $0x38;
	[tilespmem:$0x1E000] =	vst v63  }
0xf4: {  	s3 =	rddreg [dreg:$0x10]  }
0xf5: {  	[hbm4b:s3+s1] =	stream.linear.scatter [tilespmem:s28], [sflag:$0x2], $0xC000, $0x38;
	[tilespmem:$0x1E000] =	vst v63  }
0xf6: {  	s4 =	rddreg [dreg:$0x11]  }
0xf7: {  	[hbm4b:s4+s1] =	stream.linear.scatter [tilespmem:s28], [sflag:$0x2], $0xC000, $0x38;
	[tilespmem:$0x1E000] =	vst v63  }
0xf8: {  	s26 =	rddreg [dreg:$0x12];
	s3 =	simm.s32 $0xC000  }
0xf9: {  	[hbm4b:s26+s1] =	stream.linear.scatter [tilespmem:s3], [sflag:$0x2], $0xC000, $0x38;
	[tilespmem:$0x1E000] =	vst v63  }
0xfa: {  	_ =	swait.ge @!p0 [sflag:s29], $0x6000  }
0xfb: {  	[sflag:s29] =	ssyncset.done @!p0 $0x0  }
0xfc: {  	[sflag:s29] =	ssyncadd.s32 @!p0 $0xFFFFA000  }
0xfd: {  	_ =	swait.ge @!p0 [sflag:s29], $0x6000  }
0xfe: {  	[sflag:s29] =	ssyncset.done @!p0 $0x0  }
0xff: {  	[sflag:s29] =	ssyncadd.s32 @!p0 $0xFFFFA000  }
0x100: {  	_ =	swait.ge @!p0 [sflag:s29], $0x6000  }
0x101: {  	[sflag:s29] =	ssyncset.done @!p0 $0x0  }
0x102: {  	[sflag:s29] =	ssyncadd.s32 @!p0 $0xFFFFA000  }
0x103: {  	_ =	swait.ge @!p0 [sflag:s29], $0x6000  }
0x104: {  	[sflag:s29] =	ssyncset.done @!p0 $0x0  }
0x105: {  	s26 =	simm.s32 @!p0 $0x1C03;
	s0 =	rddreg [dreg:$0x13];
	[sflag:s29] =	ssyncadd.s32 @!p0 $0xFFFFA000  }
0x106: {  	[spmem:s13], [sflag:s26] =	dma.local @!p0 [hbm:s0], $0x6000  }
0x107: {  	_ =	swait.ge @!p0 [sflag:s21], $0x6000  }
0x108: {  	s4 =	smov.u32 s24;
	[sflag:s21] =	ssyncset.done @!p0 $0x0  }
0x109: {  	s24 =	simm.s32 $0x1;
	s0 =	rddreg [dreg:$0x14];
	[sflag:s21] =	ssyncadd.s32 @!p0 $0xFFFFA000  }
0x10a: {  	[hbm:s0], [sflag:s5] =	dma.local @!p0 [spmem:s31], $0x6000  }
0x10b: {  	[hbm:s20], [sflag:s5] =	dma.local @!p0 [spmem:s31], $0x6000  }
0x10c: {  	[hbm:s22], [sflag:s5] =	dma.local @!p0 [spmem:s31], $0x6000  }
0x10d: {  	[hbm:s23], [sflag:s5] =	dma.local @!p0 [spmem:s31], $0x6000  }
0x10e: {  	_ =	swait.ge [sflag:s24], $0xC000  }
0x10f: {  	[sflag:s24] =	ssyncset.done $0x0  }
0x110: {  	[sflag:s24] =	ssyncadd.s32 $0xFFFF4000  }
0x111: {  	[hbm4b:s16+s1] =	stream.linear.scatter [tilespmem:s1], [sflag:$0x2], $0xC000, $0x38;
	[tilespmem:$0x1E000] =	vst v63  }
0x112: {  	_ = 	snop  }
0x113: {  	[hbm4b:s17+s1] =	stream.linear.scatter [tilespmem:s1], [sflag:$0x2], $0xC000, $0x38;
	[tilespmem:$0x1E000] =	vst v63  }
0x114: {  	_ = 	snop  }
0x115: {  	[hbm4b:s18+s1] =	stream.linear.scatter [tilespmem:s1], [sflag:$0x2], $0xC000, $0x38;
	[tilespmem:$0x1E000] =	vst v63  }
0x116: {  	_ = 	snop  }
0x117: {  	[hbm4b:s19+s1] =	stream.linear.scatter [tilespmem:s1], [sflag:$0x2], $0xC000, $0x38;
	[tilespmem:$0x1E000] =	vst v63  }
0x118: {  	_ =	swait.ge @!p0 [sflag:s29], $0x6000  }
0x119: {  	[sflag:s29] =	ssyncset.done @!p0 $0x0  }
0x11a: {  	[sflag:s29] =	ssyncadd.s32 @!p0 $0xFFFFA000  }
0x11b: {  	_ =	swait.ge @!p0 [sflag:s29], $0x6000  }
0x11c: {  	[sflag:s29] =	ssyncset.done @!p0 $0x0  }
0x11d: {  	[sflag:s29] =	ssyncadd.s32 @!p0 $0xFFFFA000  }
0x11e: {  	_ =	swait.ge @!p0 [sflag:s29], $0x6000  }
0x11f: {  	[sflag:s29] =	ssyncset.done @!p0 $0x0  }
0x120: {  	[sflag:s29] =	ssyncadd.s32 @!p0 $0xFFFFA000  }
0x121: {  	_ =	swait.ge @!p0 [sflag:s29], $0x6000  }
0x122: {  	[sflag:s29] =	ssyncset.done @!p0 $0x0  }
0x123: {  	[sflag:s29] =	ssyncadd.s32 @!p0 $0xFFFFA000  }
0x124: {  	[spmem:s31], [sflag:s26] =	dma.local @!p0 [hbm:s15], $0x6000  }
0x125: {  	_ =	swait.ge @!p0 [sflag:s21], $0x6000  }
0x126: {  	[sflag:s21] =	ssyncset.done @!p0 $0x0  }
0x127: {  	[sflag:s21] =	ssyncadd.s32 @!p0 $0xFFFFA000  }
0x128: {  	[hbm:s10], [sflag:s5] =	dma.local @!p0 [spmem:s13], $0x6000  }
0x129: {  	[hbm:s11], [sflag:s5] =	dma.local @!p0 [spmem:s13], $0x6000  }
0x12a: {  	[hbm:s12], [sflag:s5] =	dma.local @!p0 [spmem:s13], $0x6000  }
0x12b: {  	[hbm:s14], [sflag:s5] =	dma.local @!p0 [spmem:s13], $0x6000  }
0x12c: {  	_ =	swait.ge @!p0 [sflag:s21], $0x6000  }
0x12d: {  	[sflag:s21] =	ssyncset.done @!p0 $0x0  }
0x12e: {  	[sflag:s21] =	ssyncadd.s32 @!p0 $0xFFFFA000  }
0x12f: {  	[hbm:s6], [sflag:s5] =	dma.local @!p0 [spmem:s31], $0x6000  }
0x130: {  	[hbm:s7], [sflag:s5] =	dma.local @!p0 [spmem:s31], $0x6000  }
0x131: {  	[hbm:s8], [sflag:s5] =	dma.local @!p0 [spmem:s31], $0x6000  }
0x132: {  	[hbm:s9], [sflag:s5] =	dma.local @!p0 [spmem:s31], $0x6000  }
0x133: {  	_ =	swait.ge [sflag:s2], $0xC000  }
0x134: {  	[sflag:s2] =	ssyncset.done $0x0  }
0x135: {  	[sflag:s2] =	ssyncadd.s32 $0xFFFF4000  }
0x136: {  	_ =	swait.ge [sflag:s2], $0xC000  }
0x137: {  	[sflag:s2] =	ssyncset.done $0x0  }
0x138: {  	[sflag:s2] =	ssyncadd.s32 $0xFFFF4000  }
0x139: {  	_ =	swait.ge [sflag:s2], $0xC000  }
0x13a: {  	[sflag:s2] =	ssyncset.done $0x0  }
0x13b: {  	[sflag:s2] =	ssyncadd.s32 $0xFFFF4000  }
0x13c: {  	_ =	swait.ge [sflag:s2], $0xC000  }
0x13d: {  	[sflag:s2] =	ssyncset.done $0x0  }
0x13e: {  	[sflag:s2] =	ssyncadd.s32 $0xFFFF4000  }
0x13f: {  	_ =	swait.ge [sflag:s2], $0xC000  }
0x140: {  	[sflag:s2] =	ssyncset.done $0x0  }
0x141: {  	[sflag:s2] =	ssyncadd.s32 $0xFFFF4000  }
0x142: {  	_ =	swait.ge [sflag:s2], $0xC000  }
0x143: {  	[sflag:s2] =	ssyncset.done $0x0  }
0x144: {  	[sflag:s2] =	ssyncadd.s32 $0xFFFF4000  }
0x145: {  	_ =	swait.ge [sflag:s2], $0xC000  }
0x146: {  	[sflag:s2] =	ssyncset.done $0x0  }
0x147: {  	[sflag:s2] =	ssyncadd.s32 $0xFFFF4000  }
0x148: {  	_ =	swait.ge [sflag:s2], $0xC000  }
0x149: {  	[sflag:s2] =	ssyncset.done $0x0  }
0x14a: {  	[sflag:s2] =	ssyncadd.s32 $0xFFFF4000  }
0x14b: {  	_ =	swait.ge @!p0 [sflag:s29], $0x6000  }
0x14c: {  	[sflag:s29] =	ssyncset.done @!p0 $0x0  }
0x14d: {  	[sflag:s29] =	ssyncadd.s32 @!p0 $0xFFFFA000  }
0x14e: {  	_ =	swait.ge @!p0 [sflag:s29], $0x6000  }
0x14f: {  	[sflag:s29] =	ssyncset.done @!p0 $0x0  }
0x150: {  	[sflag:s29] =	ssyncadd.s32 @!p0 $0xFFFFA000  }
0x151: {  	_ =	swait.ge @!p0 [sflag:s29], $0x6000  }
0x152: {  	[sflag:s29] =	ssyncset.done @!p0 $0x0  }
0x153: {  	[sflag:s29] =	ssyncadd.s32 @!p0 $0xFFFFA000  }
0x154: {  	_ =	swait.ge @!p0 [sflag:s29], $0x6000  }
0x155: {  	[sflag:s29] =	ssyncset.done @!p0 $0x0  }
0x156: {  	[sflag:s29] =	ssyncadd.s32 @!p0 $0xFFFFA000  }
0x157: {  	_ =	swait.ge @!p0 [sflag:s29], $0x6000  }
0x158: {  	[sflag:s29] =	ssyncset.done @!p0 $0x0  }
0x159: {  	s30 =	sadd.s32 $0xFFFFFFFF, s30;
	[sflag:s29] =	ssyncadd.s32 @!p0 $0xFFFFA000  }
0x15a: {  	p2 =	sne.s32 s30, $0x0;
	_ =	swait.ge @!p0 [sflag:s29], $0x6000  }
0x15b: {  	s25 =	smov.u32 s15;
	s20 =	smov.u32 s22;
	[sflag:s29] =	ssyncset.done @!p0 $0x0  }
.Ltmp2:
0x15c: {  	s16 =	smov.u32 s10;
	[sflag:s29] =	ssyncadd.s32 @!p0 $0xFFFFA000;
	(pc) =	sbr.rel @p2 .LBB2_3-.Ltmp2, $4  }
0x15d: {  	s17 =	smov.u32 s6;
	s18 =	smov.u32 s19;
	_ =	swait.ge @!p0 [sflag:s29], $0x6000  }
0x15e: {  	s10 =	smov.u32 s11;
	s11 =	smov.u32 s12;
	[sflag:s29] =	ssyncset.done @!p0 $0x0  }
0x15f: {  	s12 =	smov.u32 s14;
	s6 =	smov.u32 s7;
	[sflag:s29] =	ssyncadd.s32 @!p0 $0xFFFFA000  }
0x160: {  	s7 =	smov.u32 s8;
	s8 =	smov.u32 s9;
	_ =	swait.ge @!p0 [sflag:s29], $0x6000  }
0x161: {  	s31 =	rddreg [dreg:$0x3]  }
.LBB2_5:
0x162: {  	p1 =	por p0, !p1  }
0x163: {  	[sflag:s29] =	ssyncset.done @!p1 $0x0  }
0x164: {  	s0 =	rddreg [dreg:$0x4];
	s5 =	simm.s32 @!p0 $0x1C03;
	[sflag:s29] =	ssyncadd.s32 @!p1 $0xFFFFA000  }
0x165: {  	[spmem:s13], [sflag:s5] =	dma.local @!p0 [hbm:s0], $0x6000  }
0x166: {  	s0 =	rddreg [dreg:$0x5]  }
0x167: {  	[tilespmem:s1], [sflag:$0x1] =	stream.linear.gather [hbm4b:s0+s1], $0xC000, $0x38;
	[tilespmem:$0x1E000] =	vst v63  }
0x168: {  	s30 =	smov.u32 s13;
	s13 =	simm.s32 $0xC000;
	s3 =	rddreg [dreg:$0x6]  }
0x169: {  	[tilespmem:s13], [sflag:$0x1] =	stream.linear.gather [hbm4b:s3+s1], $0xC000, $0x38;
	[tilespmem:$0x1E000] =	vst v63  }
0x16a: {  	_ =	swait.ge [sflag:s24], $0xC000  }
0x16b: {  	[sflag:s24] =	ssyncset.done $0x0;
	s26 =	rddreg [dreg:$0x7]  }
0x16c: {  	s28 =	rddreg [dreg:$0x8];
	[sflag:s24] =	ssyncadd.s32 $0xFFFF4000  }
0x16d: {  	[hbm4b:s4+s1] =	stream.linear.scatter [tilespmem:s1], [sflag:$0x2], $0xC000, $0x38;
	[tilespmem:$0x1E000] =	vst v63  }
0x16e: {  	s29 =	rddreg [dreg:$0x9]  }
0x16f: {  	[hbm4b:s26+s1] =	stream.linear.scatter [tilespmem:s1], [sflag:$0x2], $0xC000, $0x38;
	[tilespmem:$0x1E000] =	vst v63  }
0x170: {  	s3 =	rddreg [dreg:$0xa]  }
0x171: {  	[hbm4b:s28+s1] =	stream.linear.scatter [tilespmem:s1], [sflag:$0x2], $0xC000, $0x38;
	[tilespmem:$0x1E000] =	vst v63  }
0x172: {  	s22 =	sshrl.u32 @!p0 s3, $0x3;
	s4 =	rddreg [dreg:$0xb];
	s26 =	simm.s32 @!p0 $0x3  }
0x173: {  	[hbm4b:s29+s1] =	stream.linear.scatter [tilespmem:s1], [sflag:$0x2], $0xC000, $0x38;
	[tilespmem:$0x1E000] =	vst v63  }
0x174: {  	[spmem:s22], [sflag:s5] =	dma.local @!p0 [hbm:s4], $0x6000  }
0x175: {  	_ =	swait.ge @!p0 [sflag:s26], $0x6000  }
0x176: {  	[sflag:s26] =	ssyncset.done @!p0 $0x0  }
0x177: {  	s28 =	simm.s32 @!p0 $0x1C04;
	s0 =	rddreg [dreg:$0x15];
	[sflag:s26] =	ssyncadd.s32 @!p0 $0xFFFFA000  }
0x178: {  	[hbm:s0], [sflag:s28] =	dma.local @!p0 [spmem:s30], $0x6000  }
0x179: {  	s0 =	rddreg [dreg:$0xc]  }
0x17a: {  	[hbm:s0], [sflag:s28] =	dma.local @!p0 [spmem:s30], $0x6000  }
0x17b: {  	s0 =	rddreg [dreg:$0xd]  }
0x17c: {  	[hbm:s0], [sflag:s28] =	dma.local @!p0 [spmem:s30], $0x6000  }
0x17d: {  	s0 =	rddreg [dreg:$0xe]  }
0x17e: {  	[hbm:s0], [sflag:s28] =	dma.local @!p0 [spmem:s30], $0x6000  }
0x17f: {  	_ =	swait.ge [sflag:s2], $0xC000  }
0x180: {  	[sflag:s2] =	ssyncset.done $0x0  }
0x181: {  	[sflag:s2] =	ssyncadd.s32 $0xFFFF4000  }
0x182: {  	_ =	swait.ge [sflag:s2], $0xC000  }
0x183: {  	[sflag:s2] =	ssyncset.done $0x0  }
0x184: {  	[sflag:s2] =	ssyncadd.s32 $0xFFFF4000  }
0x185: {  	_ =	swait.ge [sflag:s2], $0xC000  }
0x186: {  	[sflag:s2] =	ssyncset.done $0x0  }
0x187: {  	[sflag:s2] =	ssyncadd.s32 $0xFFFF4000  }
0x188: {  	_ =	swait.ge [sflag:s2], $0xC000  }
0x189: {  	[sflag:s2] =	ssyncset.done $0x0  }
0x18a: {  	s9 =	rddreg [dreg:$0xf];
	[sflag:s2] =	ssyncadd.s32 $0xFFFF4000  }
0x18b: {  	[tilespmem:s1], [sflag:$0x1] =	stream.linear.gather [hbm4b:s9+s1], $0xC000, $0x38;
	[tilespmem:$0x1E000] =	vst v63  }
0x18c: {  	_ =	swait.ge [sflag:s24], $0xC000  }
0x18d: {  	[sflag:s24] =	ssyncset.done $0x0  }
0x18e: {  	s15 =	rddreg [dreg:$0x17];
	[sflag:s24] =	ssyncadd.s32 $0xFFFF4000  }
0x18f: {  	[hbm4b:s15+s1] =	stream.linear.scatter [tilespmem:s13], [sflag:$0x2], $0xC000, $0x38;
	[tilespmem:$0x1E000] =	vst v63  }
0x190: {  	s14 =	rddreg [dreg:$0x10]  }
0x191: {  	[hbm4b:s14+s1] =	stream.linear.scatter [tilespmem:s13], [sflag:$0x2], $0xC000, $0x38;
	[tilespmem:$0x1E000] =	vst v63  }
0x192: {  	s19 =	rddreg [dreg:$0x11]  }
0x193: {  	[hbm4b:s19+s1] =	stream.linear.scatter [tilespmem:s13], [sflag:$0x2], $0xC000, $0x38;
	[tilespmem:$0x1E000] =	vst v63  }
0x194: {  	s3 =	smov.u32 s20;
	s20 =	simm.s32 @!p0 $0x4;
	s21 =	rddreg [dreg:$0x12]  }
0x195: {  	[hbm4b:s21+s1] =	stream.linear.scatter [tilespmem:s13], [sflag:$0x2], $0xC000, $0x38;
	[tilespmem:$0x1E000] =	vst v63  }
0x196: {  	_ =	swait.ge @!p0 [sflag:s20], $0x6000  }
0x197: {  	[sflag:s20] =	ssyncset.done @!p0 $0x0  }
0x198: {  	[sflag:s20] =	ssyncadd.s32 @!p0 $0xFFFFA000  }
0x199: {  	_ =	swait.ge @!p0 [sflag:s20], $0x6000  }
0x19a: {  	[sflag:s20] =	ssyncset.done @!p0 $0x0  }
0x19b: {  	[sflag:s20] =	ssyncadd.s32 @!p0 $0xFFFFA000  }
0x19c: {  	_ =	swait.ge @!p0 [sflag:s20], $0x6000  }
0x19d: {  	[sflag:s20] =	ssyncset.done @!p0 $0x0  }
0x19e: {  	[sflag:s20] =	ssyncadd.s32 @!p0 $0xFFFFA000  }
0x19f: {  	_ =	swait.ge @!p0 [sflag:s20], $0x6000  }
0x1a0: {  	[sflag:s20] =	ssyncset.done @!p0 $0x0  }
0x1a1: {  	s0 =	rddreg [dreg:$0x13];
	[sflag:s20] =	ssyncadd.s32 @!p0 $0xFFFFA000  }
0x1a2: {  	[spmem:s30], [sflag:s5] =	dma.local @!p0 [hbm:s0], $0x6000  }
0x1a3: {  	_ =	swait.ge @!p0 [sflag:s26], $0x6000  }
0x1a4: {  	[sflag:s26] =	ssyncset.done @!p0 $0x0  }
0x1a5: {  	s0 =	rddreg [dreg:$0x14];
	[sflag:s26] =	ssyncadd.s32 @!p0 $0xFFFFA000  }
0x1a6: {  	[hbm:s0], [sflag:s28] =	dma.local @!p0 [spmem:s22], $0x6000  }
0x1a7: {  	s0 =	rddreg [dreg:$0x16]  }
0x1a8: {  	[hbm:s0], [sflag:s28] =	dma.local @!p0 [spmem:s22], $0x6000  }
0x1a9: {  	[hbm:s3], [sflag:s28] =	dma.local @!p0 [spmem:s22], $0x6000  }
0x1aa: {  	[hbm:s23], [sflag:s28] =	dma.local @!p0 [spmem:s22], $0x6000  }
0x1ab: {  	_ =	swait.ge [sflag:s24], $0xC000  }
0x1ac: {  	[sflag:s24] =	ssyncset.done $0x0  }
0x1ad: {  	s23 =	rddreg [dreg:$0x18];
	[sflag:s24] =	ssyncadd.s32 $0xFFFF4000  }
0x1ae: {  	[hbm4b:s23+s1] =	stream.linear.scatter [tilespmem:s1], [sflag:$0x2], $0xC000, $0x38;
	[tilespmem:$0x1E000] =	vst v63  }
0x1af: {  	s24 =	rddreg [dreg:$0x19]  }
0x1b0: {  	[hbm4b:s24+s1] =	stream.linear.scatter [tilespmem:s1], [sflag:$0x2], $0xC000, $0x38;
	[tilespmem:$0x1E000] =	vst v63  }
0x1b1: {  	s29 =	rddreg [dreg:$0x1a]  }
0x1b2: {  	[hbm4b:s29+s1] =	stream.linear.scatter [tilespmem:s1], [sflag:$0x2], $0xC000, $0x38;
	[tilespmem:$0x1E000] =	vst v63  }
0x1b3: {  	_ = 	snop  }
0x1b4: {  	[hbm4b:s18+s1] =	stream.linear.scatter [tilespmem:s1], [sflag:$0x2], $0xC000, $0x38;
	[tilespmem:$0x1E000] =	vst v63  }
0x1b5: {  	_ =	swait.ge @!p0 [sflag:s20], $0x6000  }
0x1b6: {  	[sflag:s20] =	ssyncset.done @!p0 $0x0  }
0x1b7: {  	[sflag:s20] =	ssyncadd.s32 @!p0 $0xFFFFA000  }
0x1b8: {  	_ =	swait.ge @!p0 [sflag:s20], $0x6000  }
0x1b9: {  	[sflag:s20] =	ssyncset.done @!p0 $0x0  }
0x1ba: {  	[sflag:s20] =	ssyncadd.s32 @!p0 $0xFFFFA000  }
0x1bb: {  	_ =	swait.ge @!p0 [sflag:s20], $0x6000  }
0x1bc: {  	[sflag:s20] =	ssyncset.done @!p0 $0x0  }
0x1bd: {  	[sflag:s20] =	ssyncadd.s32 @!p0 $0xFFFFA000  }
0x1be: {  	_ =	swait.ge @!p0 [sflag:s20], $0x6000  }
0x1bf: {  	[sflag:s20] =	ssyncset.done @!p0 $0x0  }
0x1c0: {  	[sflag:s20] =	ssyncadd.s32 @!p0 $0xFFFFA000  }
0x1c1: {  	[spmem:s22], [sflag:s5] =	dma.local @!p0 [hbm:s25], $0x6000  }
0x1c2: {  	_ =	swait.ge @!p0 [sflag:s26], $0x6000  }
0x1c3: {  	[sflag:s26] =	ssyncset.done @!p0 $0x0  }
0x1c4: {  	[sflag:s26] =	ssyncadd.s32 @!p0 $0xFFFFA000  }
0x1c5: {  	[hbm:s16], [sflag:s28] =	dma.local @!p0 [spmem:s30], $0x6000  }
0x1c6: {  	[hbm:s10], [sflag:s28] =	dma.local @!p0 [spmem:s30], $0x6000  }
0x1c7: {  	[hbm:s11], [sflag:s28] =	dma.local @!p0 [spmem:s30], $0x6000  }
0x1c8: {  	[hbm:s12], [sflag:s28] =	dma.local @!p0 [spmem:s30], $0x6000  }
0x1c9: {  	_ =	swait.ge @!p0 [sflag:s26], $0x6000  }
0x1ca: {  	[sflag:s26] =	ssyncset.done @!p0 $0x0  }
0x1cb: {  	[sflag:s26] =	ssyncadd.s32 @!p0 $0xFFFFA000  }
0x1cc: {  	[hbm:s17], [sflag:s28] =	dma.local @!p0 [spmem:s22], $0x6000  }
0x1cd: {  	[hbm:s6], [sflag:s28] =	dma.local @!p0 [spmem:s22], $0x6000  }
0x1ce: {  	[hbm:s7], [sflag:s28] =	dma.local @!p0 [spmem:s22], $0x6000  }
0x1cf: {  	[hbm:s8], [sflag:s28] =	dma.local @!p0 [spmem:s22], $0x6000  }
0x1d0: {  	_ =	swait.ge [sflag:s2], $0xC000  }
0x1d1: {  	[sflag:s2] =	ssyncset.done $0x0  }
0x1d2: {  	[sflag:s2] =	ssyncadd.s32 $0xFFFF4000  }
0x1d3: {  	_ =	swait.ge [sflag:s2], $0xC000  }
0x1d4: {  	[sflag:s2] =	ssyncset.done $0x0  }
0x1d5: {  	[sflag:s2] =	ssyncadd.s32 $0xFFFF4000  }
0x1d6: {  	_ =	swait.ge [sflag:s2], $0xC000  }
0x1d7: {  	[sflag:s2] =	ssyncset.done $0x0  }
0x1d8: {  	[sflag:s2] =	ssyncadd.s32 $0xFFFF4000  }
0x1d9: {  	_ =	swait.ge [sflag:s2], $0xC000  }
0x1da: {  	[sflag:s2] =	ssyncset.done $0x0  }
0x1db: {  	[sflag:s2] =	ssyncadd.s32 $0xFFFF4000  }
0x1dc: {  	_ =	swait.ge [sflag:s2], $0xC000  }
0x1dd: {  	[sflag:s2] =	ssyncset.done $0x0  }
0x1de: {  	[sflag:s2] =	ssyncadd.s32 $0xFFFF4000  }
0x1df: {  	_ =	swait.ge [sflag:s2], $0xC000  }
0x1e0: {  	[sflag:s2] =	ssyncset.done $0x0  }
0x1e1: {  	[sflag:s2] =	ssyncadd.s32 $0xFFFF4000  }
0x1e2: {  	_ =	swait.ge [sflag:s2], $0xC000  }
0x1e3: {  	[sflag:s2] =	ssyncset.done $0x0  }
0x1e4: {  	[sflag:s2] =	ssyncadd.s32 $0xFFFF4000  }
0x1e5: {  	_ =	swait.ge [sflag:s2], $0xC000  }
0x1e6: {  	[sflag:s2] =	ssyncset.done $0x0  }
0x1e7: {  	[sflag:s2] =	ssyncadd.s32 $0xFFFF4000  }
0x1e8: {  	_ =	swait.ge @!p0 [sflag:s20], $0x6000  }
0x1e9: {  	[sflag:s20] =	ssyncset.done @!p0 $0x0  }
0x1ea: {  	[sflag:s20] =	ssyncadd.s32 @!p0 $0xFFFFA000  }
0x1eb: {  	_ =	swait.ge @!p0 [sflag:s20], $0x6000  }
0x1ec: {  	[sflag:s20] =	ssyncset.done @!p0 $0x0  }
0x1ed: {  	[sflag:s20] =	ssyncadd.s32 @!p0 $0xFFFFA000  }
0x1ee: {  	_ =	swait.ge @!p0 [sflag:s20], $0x6000  }
0x1ef: {  	[sflag:s20] =	ssyncset.done @!p0 $0x0  }
0x1f0: {  	[sflag:s20] =	ssyncadd.s32 @!p0 $0xFFFFA000  }
0x1f1: {  	_ =	swait.ge @!p0 [sflag:s20], $0x6000  }
0x1f2: {  	[sflag:s20] =	ssyncset.done @!p0 $0x0  }
0x1f3: {  	[sflag:s20] =	ssyncadd.s32 @!p0 $0xFFFFA000  }
0x1f4: {  	_ =	swait.ge @!p0 [sflag:s20], $0x6000  }
0x1f5: {  	[sflag:s20] =	ssyncset.done @!p0 $0x0  }
0x1f6: {  	[sflag:s20] =	ssyncadd.s32 @!p0 $0xFFFFA000  }
0x1f7: {  	_ =	swait.ge @!p0 [sflag:s20], $0x6000  }
0x1f8: {  	[sflag:s20] =	ssyncset.done @!p0 $0x0  }
0x1f9: {  	[sflag:s20] =	ssyncadd.s32 @!p0 $0xFFFFA000  }
0x1fa: {  	_ =	swait.ge @!p0 [sflag:s20], $0x6000  }
0x1fb: {  	[sflag:s20] =	ssyncset.done @!p0 $0x0  }
0x1fc: {  	[sflag:s20] =	ssyncadd.s32 @!p0 $0xFFFFA000  }
0x1fd: {  	_ =	swait.ge @!p0 [sflag:s20], $0x6000  }
0x1fe: {  	[sflag:s20] =	ssyncset.done @!p0 $0x0  }
0x1ff: {  	[sflag:s20] =	ssyncadd.s32 @!p0 $0xFFFFA000  }
0x200: {  	_ =	sfence.sel $0x180000  }
0x201: {  	[bflag:$0x0] =	sbarrier.arrive $0xFFFF  }
0x202: {  	_ =	strace $0x90000047  }
0x203: {  	s0 =	sadd.s32 @!p0 $0x100000, s31;
	[bflag:$0x2] =	sbarrier.arrive $0xFFFF  }
0x204: {  	[sflag:s0] =	ssyncadd.tile.s32 @!p0 $0x1;
	_ =	shalt  }
.LBB2_6:
.Ltmp3:
0x205: {  	(pc) =	sbr.rel .LBB2_5-.Ltmp3, $2  }
0x206: {  	_ =	sdelay $0x2  }
0x207: {  	s31 =	rddreg [dreg:$0x3]  }
.Lfunc_end2:
_tile_overlayer_lowered:
.L_overlay_start_2:
0x208: {  	(tag) =	ssettag $0x2  }
0x209: {  	s0 =	rddreg [dreg:$0x0];
	s2 =	stileid.u32  }
0x20a: {  	s1 =	rddreg [dreg:$0x1];
	p0 =	sne.s32 s2, $0x0  }
0x20b: {  	s3 =	rddreg [dreg:$0x2];
	[bflag:$0x3] =	sbarrier.arrive $0xFFFF;
	s2 =	simm.s32 @!p0 $0x1C05  }
0x20c: {  	[timem:s3], [sflag:s2] =	dma.local @!p0 [hbm:s0], s1  }
0x20d: {  	s0 =	simm.s32 @!p0 $0x5  }
0x20e: {  	_ =	swait.ge @!p0 [sflag:s0], s1  }
0x20f: {  	s1 =	ssub.s32 @!p0 $0x0, s1;
	[sflag:s0] =	ssyncset.done @!p0 $0x0  }
0x210: {  	[sflag:s0] =	ssyncadd.s32 @!p0 s1  }
0x211: {  	[bflag:$0x3] =	sbarrier.arrive $0xFFFF  }
0x212: {  	_ =	shalt  }

</sc_bundles>
